<compile_context>
chip_gen: v7x
topology: tpu7x:2x2x1
jax: 0.10.2.dev20260603
libtpu: 0.0.44.dev20260713+nightly
codegen_flags: <defaults>
</compile_context>

<pallas_src>
import functools
import math

import jax
import jax.numpy as jnp
from jax import lax
from jax.experimental import pallas as pl
from jax.experimental.pallas import tpu as pltpu
from jax.experimental.pallas import tpu_sc as plsc

D_MODEL = 64
SCALE = math.sqrt(D_MODEL)

_info = plsc.get_sparse_core_info()
NC, NS, L = _info.num_cores, _info.num_subcores, _info.num_lanes
NW = NC * NS

CHUNK = 128
NBUF = 4
SLICES = CHUNK * D_MODEL // L


@functools.partial(jax.jit, static_argnames=("n_tokens",))
def _embed_gather(table, idx, *, n_tokens):
    b_per_w = n_tokens // NW
    n_chunks = b_per_w // CHUNK
    n_grp = n_chunks // NBUF
    mesh = plsc.VectorSubcoreMesh(core_axis_name="c", subcore_axis_name="s")

    @functools.partial(
        pl.kernel,
        mesh=mesh,
        out_type=jax.ShapeDtypeStruct((n_tokens, D_MODEL), jnp.float32),
        scratch_types=(
            [pltpu.VMEM((b_per_w,), jnp.int32)]
            + [pltpu.VMEM((CHUNK, D_MODEL), jnp.float32)] * NBUF
            + [pltpu.SemaphoreType.DMA] * (2 * NBUF)
        ),
        compiler_params=pltpu.CompilerParams(use_tc_tiling_on_sc=False),
    )
    def k(table_hbm, idx_hbm, out_hbm, idx_all, r0, r1, r2, r3, *sems):
        rows = [r0, r1, r2, r3]
        sem_g = sems[:NBUF]
        sem_o = sems[NBUF:]
        wid = lax.axis_index("s") * NC + lax.axis_index("c")
        base = wid * b_per_w

        pltpu.sync_copy(idx_hbm.at[pl.ds(base, b_per_w)], idx_all)

        def start_gather(g, b):
            pltpu.async_copy(
                table_hbm.at[idx_all.at[pl.ds(g * CHUNK, CHUNK)]],
                rows[b], sem_g[b])

        def wait_gather(b):
            pltpu.make_async_copy(
                table_hbm.at[idx_all.at[pl.ds(0, CHUNK)]],
                rows[b], sem_g[b]).wait()

        def start_out(g, b):
            pltpu.async_copy(
                rows[b], out_hbm.at[pl.ds(base + g * CHUNK, CHUNK)], sem_o[b])

        def wait_out(b):
            pltpu.make_async_copy(
                rows[b], out_hbm.at[pl.ds(base, CHUNK)], sem_o[b]).wait()

        def scale(b):
            rb = rows[b]

            @plsc.parallel_loop(0, SLICES, unroll=8)
            def _(i):
                r = lax.shift_right_logical(i, 2)
                c = lax.shift_left(lax.bitwise_and(i, 3), 4)
                rb[r, pl.ds(c, L)] = rb[r, pl.ds(c, L)] * SCALE

        start_gather(0, 0)
        start_gather(1, 1)

        for b in range(NBUF):
            g = b
            wait_gather(b)
            scale(b)
            start_out(g, b)
            b2 = (b + 2) % NBUF
            if b >= 2:
                wait_out(b2)
            start_gather(g + 2, b2)

        def grp_body(grp, carry):
            g0 = grp * NBUF
            for b in range(NBUF):
                g = g0 + b
                wait_gather(b)
                scale(b)
                start_out(g, b)
                b2 = (b + 2) % NBUF
                wait_out(b2)
                start_gather(g + 2, b2)
            return carry

        lax.fori_loop(1, n_grp - 1, grp_body, 0)

        g0 = (n_grp - 1) * NBUF
        for b in range(NBUF):
            g = g0 + b
            wait_gather(b)
            scale(b)
            start_out(g, b)
            b2 = (b + 2) % NBUF
            if b < 2:
                wait_out(b2)
                start_gather(g + 2, b2)
        for b in range(NBUF):
            wait_out(b)

    return k(table, idx)


def kernel(x, embed_weight):
    s0, s1 = x.shape
    n_tokens = s0 * s1
    idx = x.reshape(n_tokens).astype(jnp.int32)
    out = _embed_gather(embed_weight, idx, n_tokens=n_tokens)
    return out.reshape(s0, s1, D_MODEL)

# --- scband reference (transcript-rebuilt; emitter-appended) ---
"""Pipeline reference for scband-token-embeddings-64699387347682 (READ-ONLY COPY).

The authoritative reference and input builder live on the scoring server;
editing this copy changes nothing except your own understanding.
"""

import math
import jax, jax.numpy as jnp
import numpy as np

VOCAB_SIZE = 1000000
D_MODEL = 64

def setup_inputs(seed: int = 0) -> dict:
    key = jax.random.key(seed)
    k_idx, k_w = jax.random.split(key)
    x = jax.random.randint(k_idx, (4096, 200), 0, VOCAB_SIZE, dtype=jnp.int64 if jax.config.jax_enable_x64 else jnp.int32)
    embed_weight = jax.random.normal(k_w, (VOCAB_SIZE, D_MODEL), dtype=jnp.float32)
    return {"x": x, "embed_weight": embed_weight}

def reference(x, embed_weight):
    # torch.nn.Embedding lookup followed by sqrt(d_model) scaling
    out = jnp.take(embed_weight, x, axis=0) * math.sqrt(D_MODEL)
    return out

if __name__ == "__main__":
    import jax
    _d = setup_inputs()
    print(jax.jit(kernel)(*tuple(_d.values())))

</pallas_src>

<mosaic_0001>
#map = affine_map<(d0, d1) -> (0, 0)>
#map1 = affine_map<(d0, d1) -> (0)>
module attributes {stable_mosaic.version = 14 : i64} {
  func.func @k(%arg0: i32, %arg1: i32, %arg2: memref<1000000x64xf32, #tpu.memory_space<hbm>>, %arg3: memref<819200xi32, #tpu.memory_space<hbm>>, %arg4: memref<819200x64xf32, #tpu.memory_space<hbm>>, %arg5: memref<25600xi32, #tpu.memory_space<vmem>>, %arg6: memref<128x64xf32, #tpu.memory_space<vmem>>, %arg7: memref<128x64xf32, #tpu.memory_space<vmem>>, %arg8: memref<128x64xf32, #tpu.memory_space<vmem>>, %arg9: memref<128x64xf32, #tpu.memory_space<vmem>>, %arg10: memref<!tpu.dma_semaphore, #tpu.memory_space<semaphore_mem>>, %arg11: memref<!tpu.dma_semaphore, #tpu.memory_space<semaphore_mem>>, %arg12: memref<!tpu.dma_semaphore, #tpu.memory_space<semaphore_mem>>, %arg13: memref<!tpu.dma_semaphore, #tpu.memory_space<semaphore_mem>>, %arg14: memref<!tpu.dma_semaphore, #tpu.memory_space<semaphore_mem>>, %arg15: memref<!tpu.dma_semaphore, #tpu.memory_space<semaphore_mem>>, %arg16: memref<!tpu.dma_semaphore, #tpu.memory_space<semaphore_mem>>, %arg17: memref<!tpu.dma_semaphore, #tpu.memory_space<semaphore_mem>>) attributes {dimension_semantics = [#tpu.dimension_semantics<core_parallel>, #tpu.dimension_semantics<subcore_parallel>], iteration_bounds = array<i64: 2, 16>, scalar_prefetch = 0 : i64, scratch_operands = 13 : i64, tpu.core_type = #tpu.core_type<sc_vector_subcore>, window_params = [{transform_indices = #map}, {transform_indices = #map1}, {transform_indices = #map}]} {
    %mul3A = arith.constant 2 : i32
    %mul3A_0 = arith.muli %arg1, %mul3A : i32
    %add3A = arith.addi %mul3A_0, %arg0 : i32
    %mul3A_1 = arith.constant 25600 : i32
    %mul3A_2 = arith.muli %add3A, %mul3A_1 : i32
    "tpu.region"() ({
      %run_scoped3A = tpu.sem_alloc : memref<!tpu.dma_semaphore, #tpu.memory_space<semaphore_mem>>
      %dma_start3A_189 = tpu.memref_slice %arg3[%mul3A_2] : memref<819200xi32, #tpu.memory_space<hbm>> -> memref<25600xi32, #tpu.memory_space<hbm>>
      %dma_start3A_190 = tpu.memref_slice %arg3[%mul3A_2] : memref<819200xi32, #tpu.memory_space<hbm>> -> memref<25600xi32, #tpu.memory_space<hbm>>
      tpu.enqueue_dma source(%dma_start3A_190 : memref<25600xi32, #tpu.memory_space<hbm>>) target(%arg5 : memref<25600xi32, #tpu.memory_space<vmem>>) target_semaphore(%run_scoped3A : memref<!tpu.dma_semaphore, #tpu.memory_space<semaphore_mem>>)
      %dma_wait3A_191 = tpu.memref_slice %arg3[%mul3A_2] : memref<819200xi32, #tpu.memory_space<hbm>> -> memref<25600xi32, #tpu.memory_space<hbm>>
      %dma_wait3A_192 = tpu.memref_slice %arg3[%mul3A_2] : memref<819200xi32, #tpu.memory_space<hbm>> -> memref<25600xi32, #tpu.memory_space<hbm>>
      tpu.wait_dma2 semaphore(%run_scoped3A : memref<!tpu.dma_semaphore, #tpu.memory_space<semaphore_mem>>) src(%dma_wait3A_192 : memref<25600xi32, #tpu.memory_space<hbm>>) dst(%arg5 : memref<25600xi32, #tpu.memory_space<vmem>>)
      tpu.yield
    }) : () -> ()
    %dma_start3A = arith.constant 0 : i32
    %dma_start3A_3 = tpu.memref_slice %arg5[%dma_start3A] : memref<25600xi32, #tpu.memory_space<vmem>> -> memref<128xi32, #tpu.memory_space<vmem>>
    %dma_start3A_4 = arith.constant 0 : i32
    %dma_start3A_5 = arith.constant 0 : i32
    %dma_start3A_6 = tpu.memref_slice %arg2[%dma_start3A_4, %dma_start3A_5] : memref<1000000x64xf32, #tpu.memory_space<hbm>> -> memref<1000000x64xf32, #tpu.memory_space<hbm>>
    tpu.enqueue_indirect_dma source(%dma_start3A_6 : memref<1000000x64xf32, #tpu.memory_space<hbm>>) target(%arg6 : memref<128x64xf32, #tpu.memory_space<vmem>>) offsets(%dma_start3A_3 : memref<128xi32, #tpu.memory_space<vmem>>) semaphore(%arg10 : memref<!tpu.dma_semaphore, #tpu.memory_space<semaphore_mem>>)
    %dma_start3A_7 = arith.constant 128 : i32
    %dma_start3A_8 = tpu.memref_slice %arg5[%dma_start3A_7] : memref<25600xi32, #tpu.memory_space<vmem>> -> memref<128xi32, #tpu.memory_space<vmem>>
    %dma_start3A_9 = arith.constant 0 : i32
    %dma_start3A_10 = arith.constant 0 : i32
    %dma_start3A_11 = tpu.memref_slice %arg2[%dma_start3A_9, %dma_start3A_10] : memref<1000000x64xf32, #tpu.memory_space<hbm>> -> memref<1000000x64xf32, #tpu.memory_space<hbm>>
    tpu.enqueue_indirect_dma source(%dma_start3A_11 : memref<1000000x64xf32, #tpu.memory_space<hbm>>) target(%arg7 : memref<128x64xf32, #tpu.memory_space<vmem>>) offsets(%dma_start3A_8 : memref<128xi32, #tpu.memory_space<vmem>>) semaphore(%arg11 : memref<!tpu.dma_semaphore, #tpu.memory_space<semaphore_mem>>)
    %dma_wait3A = arith.constant 0 : i32
    %dma_wait3A_12 = tpu.memref_slice %arg5[%dma_wait3A] : memref<25600xi32, #tpu.memory_space<vmem>> -> memref<128xi32, #tpu.memory_space<vmem>>
    %dma_wait3A_13 = arith.constant 0 : i32
    %dma_wait3A_14 = arith.constant 0 : i32
    %dma_wait3A_15 = tpu.memref_slice %arg2[%dma_wait3A_13, %dma_wait3A_14] : memref<1000000x64xf32, #tpu.memory_space<hbm>> -> memref<1000000x64xf32, #tpu.memory_space<hbm>>
    tpu.wait_indirect_dma semaphore(%arg10 : memref<!tpu.dma_semaphore, #tpu.memory_space<semaphore_mem>>) src(%dma_wait3A_15 : memref<1000000x64xf32, #tpu.memory_space<hbm>>) dst(%arg6 : memref<128x64xf32, #tpu.memory_space<vmem>>)
    %parallel_loop3A = arith.constant 0 : i32
    %parallel_loop3A_16 = arith.constant 512 : i32
    %parallel_loop3A_17 = arith.constant 1 : i32
    scf.for %parallel_loop3A_189 = %parallel_loop3A to %parallel_loop3A_16 step %parallel_loop3A_17  : i32 {
      %parallel_loop3A_190 = arith.constant 2 : i32
      %parallel_loop3A_191 = arith.shrui %parallel_loop3A_189, %parallel_loop3A_190 : i32
      %parallel_loop3A_192 = arith.constant 3 : i32
      %parallel_loop3A_193 = arith.andi %parallel_loop3A_189, %parallel_loop3A_192 : i32
      %parallel_loop3A_194 = arith.constant 4 : i32
      %parallel_loop3A_195 = arith.shli %parallel_loop3A_193, %parallel_loop3A_194 : i32
      %parallel_loop3A_196 = arith.index_cast %parallel_loop3A_191 : i32 to index
      %parallel_loop3A_197 = arith.index_cast %parallel_loop3A_195 : i32 to index
      %parallel_loop3A_198 = tpu.vector_load %arg6[%parallel_loop3A_196, %parallel_loop3A_197] {strides = array<i32>} : memref<128x64xf32, #tpu.memory_space<vmem>>, vector<1x16xf32>,
      %parallel_loop3A_199 = vector.shape_cast %parallel_loop3A_198 : vector<1x16xf32> to vector<16xf32>
      %parallel_loop3A_200 = arith.constant 8.000000e+00 : f32
      %parallel_loop3A_201 = vector.broadcast %parallel_loop3A_200 : f32 to vector<16xf32>
      %parallel_loop3A_202 = arith.mulf %parallel_loop3A_199, %parallel_loop3A_201 : vector<16xf32>
      %parallel_loop3A_203 = arith.index_cast %parallel_loop3A_191 : i32 to index
      %parallel_loop3A_204 = arith.index_cast %parallel_loop3A_195 : i32 to index
      %parallel_loop3A_205 = tpu.vector_load %arg6[%parallel_loop3A_203, %parallel_loop3A_204] {strides = array<i32>} : memref<128x64xf32, #tpu.memory_space<vmem>>, vector<1x16xf32>,
      %parallel_loop3A_206 = vector.shape_cast %parallel_loop3A_205 : vector<1x16xf32> to vector<16xf32>
      %parallel_loop3A_207 = vector.shape_cast %parallel_loop3A_202 : vector<16xf32> to vector<1x16xf32>
      tpu.vector_store %arg6[%parallel_loop3A_203, %parallel_loop3A_204], %parallel_loop3A_207 {strides = array<i32>} : memref<128x64xf32, #tpu.memory_space<vmem>>, vector<1x16xf32>,
    } {sc.loop_unroll_factor = 8 : i64, sc.parallel_access}
    %add3A_18 = arith.constant 0 : i32
    %add3A_19 = arith.addi %mul3A_2, %add3A_18 : i32
    %dma_start3A_20 = arith.constant 0 : i32
    %dma_start3A_21 = tpu.memref_slice %arg4[%add3A_19, %dma_start3A_20] : memref<819200x64xf32, #tpu.memory_space<hbm>> -> memref<128x64xf32, #tpu.memory_space<hbm>>
    %dma_start3A_22 = arith.constant 0 : i32
    %dma_start3A_23 = tpu.memref_slice %arg4[%add3A_19, %dma_start3A_22] : memref<819200x64xf32, #tpu.memory_space<hbm>> -> memref<128x64xf32, #tpu.memory_space<hbm>>
    tpu.enqueue_dma source(%arg6 : memref<128x64xf32, #tpu.memory_space<vmem>>) target(%dma_start3A_23 : memref<128x64xf32, #tpu.memory_space<hbm>>) target_semaphore(%arg14 : memref<!tpu.dma_semaphore, #tpu.memory_space<semaphore_mem>>)
    %dma_start3A_24 = arith.constant 256 : i32
    %dma_start3A_25 = tpu.memref_slice %arg5[%dma_start3A_24] : memref<25600xi32, #tpu.memory_space<vmem>> -> memref<128xi32, #tpu.memory_space<vmem>>
    %dma_start3A_26 = arith.constant 0 : i32
    %dma_start3A_27 = arith.constant 0 : i32
    %dma_start3A_28 = tpu.memref_slice %arg2[%dma_start3A_26, %dma_start3A_27] : memref<1000000x64xf32, #tpu.memory_space<hbm>> -> memref<1000000x64xf32, #tpu.memory_space<hbm>>
    tpu.enqueue_indirect_dma source(%dma_start3A_28 : memref<1000000x64xf32, #tpu.memory_space<hbm>>) target(%arg8 : memref<128x64xf32, #tpu.memory_space<vmem>>) offsets(%dma_start3A_25 : memref<128xi32, #tpu.memory_space<vmem>>) semaphore(%arg12 : memref<!tpu.dma_semaphore, #tpu.memory_space<semaphore_mem>>)
    %dma_wait3A_29 = arith.constant 0 : i32
    %dma_wait3A_30 = tpu.memref_slice %arg5[%dma_wait3A_29] : memref<25600xi32, #tpu.memory_space<vmem>> -> memref<128xi32, #tpu.memory_space<vmem>>
    %dma_wait3A_31 = arith.constant 0 : i32
    %dma_wait3A_32 = arith.constant 0 : i32
    %dma_wait3A_33 = tpu.memref_slice %arg2[%dma_wait3A_31, %dma_wait3A_32] : memref<1000000x64xf32, #tpu.memory_space<hbm>> -> memref<1000000x64xf32, #tpu.memory_space<hbm>>
    tpu.wait_indirect_dma semaphore(%arg11 : memref<!tpu.dma_semaphore, #tpu.memory_space<semaphore_mem>>) src(%dma_wait3A_33 : memref<1000000x64xf32, #tpu.memory_space<hbm>>) dst(%arg7 : memref<128x64xf32, #tpu.memory_space<vmem>>)
    %parallel_loop3A_34 = arith.constant 0 : i32
    %parallel_loop3A_35 = arith.constant 512 : i32
    %parallel_loop3A_36 = arith.constant 1 : i32
    scf.for %parallel_loop3A_189 = %parallel_loop3A_34 to %parallel_loop3A_35 step %parallel_loop3A_36  : i32 {
      %parallel_loop3A_190 = arith.constant 2 : i32
      %parallel_loop3A_191 = arith.shrui %parallel_loop3A_189, %parallel_loop3A_190 : i32
      %parallel_loop3A_192 = arith.constant 3 : i32
      %parallel_loop3A_193 = arith.andi %parallel_loop3A_189, %parallel_loop3A_192 : i32
      %parallel_loop3A_194 = arith.constant 4 : i32
      %parallel_loop3A_195 = arith.shli %parallel_loop3A_193, %parallel_loop3A_194 : i32
      %parallel_loop3A_196 = arith.index_cast %parallel_loop3A_191 : i32 to index
      %parallel_loop3A_197 = arith.index_cast %parallel_loop3A_195 : i32 to index
      %parallel_loop3A_198 = tpu.vector_load %arg7[%parallel_loop3A_196, %parallel_loop3A_197] {strides = array<i32>} : memref<128x64xf32, #tpu.memory_space<vmem>>, vector<1x16xf32>,
      %parallel_loop3A_199 = vector.shape_cast %parallel_loop3A_198 : vector<1x16xf32> to vector<16xf32>
      %parallel_loop3A_200 = arith.constant 8.000000e+00 : f32
      %parallel_loop3A_201 = vector.broadcast %parallel_loop3A_200 : f32 to vector<16xf32>
      %parallel_loop3A_202 = arith.mulf %parallel_loop3A_199, %parallel_loop3A_201 : vector<16xf32>
      %parallel_loop3A_203 = arith.index_cast %parallel_loop3A_191 : i32 to index
      %parallel_loop3A_204 = arith.index_cast %parallel_loop3A_195 : i32 to index
      %parallel_loop3A_205 = tpu.vector_load %arg7[%parallel_loop3A_203, %parallel_loop3A_204] {strides = array<i32>} : memref<128x64xf32, #tpu.memory_space<vmem>>, vector<1x16xf32>,
      %parallel_loop3A_206 = vector.shape_cast %parallel_loop3A_205 : vector<1x16xf32> to vector<16xf32>
      %parallel_loop3A_207 = vector.shape_cast %parallel_loop3A_202 : vector<16xf32> to vector<1x16xf32>
      tpu.vector_store %arg7[%parallel_loop3A_203, %parallel_loop3A_204], %parallel_loop3A_207 {strides = array<i32>} : memref<128x64xf32, #tpu.memory_space<vmem>>, vector<1x16xf32>,
    } {sc.loop_unroll_factor = 8 : i64, sc.parallel_access}
    %add3A_37 = arith.constant 128 : i32
    %add3A_38 = arith.addi %mul3A_2, %add3A_37 : i32
    %dma_start3A_39 = arith.constant 0 : i32
    %dma_start3A_40 = tpu.memref_slice %arg4[%add3A_38, %dma_start3A_39] : memref<819200x64xf32, #tpu.memory_space<hbm>> -> memref<128x64xf32, #tpu.memory_space<hbm>>
    %dma_start3A_41 = arith.constant 0 : i32
    %dma_start3A_42 = tpu.memref_slice %arg4[%add3A_38, %dma_start3A_41] : memref<819200x64xf32, #tpu.memory_space<hbm>> -> memref<128x64xf32, #tpu.memory_space<hbm>>
    tpu.enqueue_dma source(%arg7 : memref<128x64xf32, #tpu.memory_space<vmem>>) target(%dma_start3A_42 : memref<128x64xf32, #tpu.memory_space<hbm>>) target_semaphore(%arg15 : memref<!tpu.dma_semaphore, #tpu.memory_space<semaphore_mem>>)
    %dma_start3A_43 = arith.constant 384 : i32
    %dma_start3A_44 = tpu.memref_slice %arg5[%dma_start3A_43] : memref<25600xi32, #tpu.memory_space<vmem>> -> memref<128xi32, #tpu.memory_space<vmem>>
    %dma_start3A_45 = arith.constant 0 : i32
    %dma_start3A_46 = arith.constant 0 : i32
    %dma_start3A_47 = tpu.memref_slice %arg2[%dma_start3A_45, %dma_start3A_46] : memref<1000000x64xf32, #tpu.memory_space<hbm>> -> memref<1000000x64xf32, #tpu.memory_space<hbm>>
    tpu.enqueue_indirect_dma source(%dma_start3A_47 : memref<1000000x64xf32, #tpu.memory_space<hbm>>) target(%arg9 : memref<128x64xf32, #tpu.memory_space<vmem>>) offsets(%dma_start3A_44 : memref<128xi32, #tpu.memory_space<vmem>>) semaphore(%arg13 : memref<!tpu.dma_semaphore, #tpu.memory_space<semaphore_mem>>)
    %dma_wait3A_48 = arith.constant 0 : i32
    %dma_wait3A_49 = tpu.memref_slice %arg5[%dma_wait3A_48] : memref<25600xi32, #tpu.memory_space<vmem>> -> memref<128xi32, #tpu.memory_space<vmem>>
    %dma_wait3A_50 = arith.constant 0 : i32
    %dma_wait3A_51 = arith.constant 0 : i32
    %dma_wait3A_52 = tpu.memref_slice %arg2[%dma_wait3A_50, %dma_wait3A_51] : memref<1000000x64xf32, #tpu.memory_space<hbm>> -> memref<1000000x64xf32, #tpu.memory_space<hbm>>
    tpu.wait_indirect_dma semaphore(%arg12 : memref<!tpu.dma_semaphore, #tpu.memory_space<semaphore_mem>>) src(%dma_wait3A_52 : memref<1000000x64xf32, #tpu.memory_space<hbm>>) dst(%arg8 : memref<128x64xf32, #tpu.memory_space<vmem>>)
    %parallel_loop3A_53 = arith.constant 0 : i32
    %parallel_loop3A_54 = arith.constant 512 : i32
    %parallel_loop3A_55 = arith.constant 1 : i32
    scf.for %parallel_loop3A_189 = %parallel_loop3A_53 to %parallel_loop3A_54 step %parallel_loop3A_55  : i32 {
      %parallel_loop3A_190 = arith.constant 2 : i32
      %parallel_loop3A_191 = arith.shrui %parallel_loop3A_189, %parallel_loop3A_190 : i32
      %parallel_loop3A_192 = arith.constant 3 : i32
      %parallel_loop3A_193 = arith.andi %parallel_loop3A_189, %parallel_loop3A_192 : i32
      %parallel_loop3A_194 = arith.constant 4 : i32
      %parallel_loop3A_195 = arith.shli %parallel_loop3A_193, %parallel_loop3A_194 : i32
      %parallel_loop3A_196 = arith.index_cast %parallel_loop3A_191 : i32 to index
      %parallel_loop3A_197 = arith.index_cast %parallel_loop3A_195 : i32 to index
      %parallel_loop3A_198 = tpu.vector_load %arg8[%parallel_loop3A_196, %parallel_loop3A_197] {strides = array<i32>} : memref<128x64xf32, #tpu.memory_space<vmem>>, vector<1x16xf32>,
      %parallel_loop3A_199 = vector.shape_cast %parallel_loop3A_198 : vector<1x16xf32> to vector<16xf32>
      %parallel_loop3A_200 = arith.constant 8.000000e+00 : f32
      %parallel_loop3A_201 = vector.broadcast %parallel_loop3A_200 : f32 to vector<16xf32>
      %parallel_loop3A_202 = arith.mulf %parallel_loop3A_199, %parallel_loop3A_201 : vector<16xf32>
      %parallel_loop3A_203 = arith.index_cast %parallel_loop3A_191 : i32 to index
      %parallel_loop3A_204 = arith.index_cast %parallel_loop3A_195 : i32 to index
      %parallel_loop3A_205 = tpu.vector_load %arg8[%parallel_loop3A_203, %parallel_loop3A_204] {strides = array<i32>} : memref<128x64xf32, #tpu.memory_space<vmem>>, vector<1x16xf32>,
      %parallel_loop3A_206 = vector.shape_cast %parallel_loop3A_205 : vector<1x16xf32> to vector<16xf32>
      %parallel_loop3A_207 = vector.shape_cast %parallel_loop3A_202 : vector<16xf32> to vector<1x16xf32>
      tpu.vector_store %arg8[%parallel_loop3A_203, %parallel_loop3A_204], %parallel_loop3A_207 {strides = array<i32>} : memref<128x64xf32, #tpu.memory_space<vmem>>, vector<1x16xf32>,
    } {sc.loop_unroll_factor = 8 : i64, sc.parallel_access}
    %add3A_56 = arith.constant 256 : i32
    %add3A_57 = arith.addi %mul3A_2, %add3A_56 : i32
    %dma_start3A_58 = arith.constant 0 : i32
    %dma_start3A_59 = tpu.memref_slice %arg4[%add3A_57, %dma_start3A_58] : memref<819200x64xf32, #tpu.memory_space<hbm>> -> memref<128x64xf32, #tpu.memory_space<hbm>>
    %dma_start3A_60 = arith.constant 0 : i32
    %dma_start3A_61 = tpu.memref_slice %arg4[%add3A_57, %dma_start3A_60] : memref<819200x64xf32, #tpu.memory_space<hbm>> -> memref<128x64xf32, #tpu.memory_space<hbm>>
    tpu.enqueue_dma source(%arg8 : memref<128x64xf32, #tpu.memory_space<vmem>>) target(%dma_start3A_61 : memref<128x64xf32, #tpu.memory_space<hbm>>) target_semaphore(%arg16 : memref<!tpu.dma_semaphore, #tpu.memory_space<semaphore_mem>>)
    %dma_wait3A_62 = arith.constant 0 : i32
    %dma_wait3A_63 = tpu.memref_slice %arg4[%mul3A_2, %dma_wait3A_62] : memref<819200x64xf32, #tpu.memory_space<hbm>> -> memref<128x64xf32, #tpu.memory_space<hbm>>
    %dma_wait3A_64 = arith.constant 0 : i32
    %dma_wait3A_65 = tpu.memref_slice %arg4[%mul3A_2, %dma_wait3A_64] : memref<819200x64xf32, #tpu.memory_space<hbm>> -> memref<128x64xf32, #tpu.memory_space<hbm>>
    tpu.wait_dma2 semaphore(%arg14 : memref<!tpu.dma_semaphore, #tpu.memory_space<semaphore_mem>>) src(%arg6 : memref<128x64xf32, #tpu.memory_space<vmem>>) dst(%dma_wait3A_65 : memref<128x64xf32, #tpu.memory_space<hbm>>)
    %dma_start3A_66 = arith.constant 512 : i32
    %dma_start3A_67 = tpu.memref_slice %arg5[%dma_start3A_66] : memref<25600xi32, #tpu.memory_space<vmem>> -> memref<128xi32, #tpu.memory_space<vmem>>
    %dma_start3A_68 = arith.constant 0 : i32
    %dma_start3A_69 = arith.constant 0 : i32
    %dma_start3A_70 = tpu.memref_slice %arg2[%dma_start3A_68, %dma_start3A_69] : memref<1000000x64xf32, #tpu.memory_space<hbm>> -> memref<1000000x64xf32, #tpu.memory_space<hbm>>
    tpu.enqueue_indirect_dma source(%dma_start3A_70 : memref<1000000x64xf32, #tpu.memory_space<hbm>>) target(%arg6 : memref<128x64xf32, #tpu.memory_space<vmem>>) offsets(%dma_start3A_67 : memref<128xi32, #tpu.memory_space<vmem>>) semaphore(%arg10 : memref<!tpu.dma_semaphore, #tpu.memory_space<semaphore_mem>>)
    %dma_wait3A_71 = arith.constant 0 : i32
    %dma_wait3A_72 = tpu.memref_slice %arg5[%dma_wait3A_71] : memref<25600xi32, #tpu.memory_space<vmem>> -> memref<128xi32, #tpu.memory_space<vmem>>
    %dma_wait3A_73 = arith.constant 0 : i32
    %dma_wait3A_74 = arith.constant 0 : i32
    %dma_wait3A_75 = tpu.memref_slice %arg2[%dma_wait3A_73, %dma_wait3A_74] : memref<1000000x64xf32, #tpu.memory_space<hbm>> -> memref<1000000x64xf32, #tpu.memory_space<hbm>>
    tpu.wait_indirect_dma semaphore(%arg13 : memref<!tpu.dma_semaphore, #tpu.memory_space<semaphore_mem>>) src(%dma_wait3A_75 : memref<1000000x64xf32, #tpu.memory_space<hbm>>) dst(%arg9 : memref<128x64xf32, #tpu.memory_space<vmem>>)
    %parallel_loop3A_76 = arith.constant 0 : i32
    %parallel_loop3A_77 = arith.constant 512 : i32
    %parallel_loop3A_78 = arith.constant 1 : i32
    scf.for %parallel_loop3A_189 = %parallel_loop3A_76 to %parallel_loop3A_77 step %parallel_loop3A_78  : i32 {
      %parallel_loop3A_190 = arith.constant 2 : i32
      %parallel_loop3A_191 = arith.shrui %parallel_loop3A_189, %parallel_loop3A_190 : i32
      %parallel_loop3A_192 = arith.constant 3 : i32
      %parallel_loop3A_193 = arith.andi %parallel_loop3A_189, %parallel_loop3A_192 : i32
      %parallel_loop3A_194 = arith.constant 4 : i32
      %parallel_loop3A_195 = arith.shli %parallel_loop3A_193, %parallel_loop3A_194 : i32
      %parallel_loop3A_196 = arith.index_cast %parallel_loop3A_191 : i32 to index
      %parallel_loop3A_197 = arith.index_cast %parallel_loop3A_195 : i32 to index
      %parallel_loop3A_198 = tpu.vector_load %arg9[%parallel_loop3A_196, %parallel_loop3A_197] {strides = array<i32>} : memref<128x64xf32, #tpu.memory_space<vmem>>, vector<1x16xf32>,
      %parallel_loop3A_199 = vector.shape_cast %parallel_loop3A_198 : vector<1x16xf32> to vector<16xf32>
      %parallel_loop3A_200 = arith.constant 8.000000e+00 : f32
      %parallel_loop3A_201 = vector.broadcast %parallel_loop3A_200 : f32 to vector<16xf32>
      %parallel_loop3A_202 = arith.mulf %parallel_loop3A_199, %parallel_loop3A_201 : vector<16xf32>
      %parallel_loop3A_203 = arith.index_cast %parallel_loop3A_191 : i32 to index
      %parallel_loop3A_204 = arith.index_cast %parallel_loop3A_195 : i32 to index
      %parallel_loop3A_205 = tpu.vector_load %arg9[%parallel_loop3A_203, %parallel_loop3A_204] {strides = array<i32>} : memref<128x64xf32, #tpu.memory_space<vmem>>, vector<1x16xf32>,
      %parallel_loop3A_206 = vector.shape_cast %parallel_loop3A_205 : vector<1x16xf32> to vector<16xf32>
      %parallel_loop3A_207 = vector.shape_cast %parallel_loop3A_202 : vector<16xf32> to vector<1x16xf32>
      tpu.vector_store %arg9[%parallel_loop3A_203, %parallel_loop3A_204], %parallel_loop3A_207 {strides = array<i32>} : memref<128x64xf32, #tpu.memory_space<vmem>>, vector<1x16xf32>,
    } {sc.loop_unroll_factor = 8 : i64, sc.parallel_access}
    %add3A_79 = arith.constant 384 : i32
    %add3A_80 = arith.addi %mul3A_2, %add3A_79 : i32
    %dma_start3A_81 = arith.constant 0 : i32
    %dma_start3A_82 = tpu.memref_slice %arg4[%add3A_80, %dma_start3A_81] : memref<819200x64xf32, #tpu.memory_space<hbm>> -> memref<128x64xf32, #tpu.memory_space<hbm>>
    %dma_start3A_83 = arith.constant 0 : i32
    %dma_start3A_84 = tpu.memref_slice %arg4[%add3A_80, %dma_start3A_83] : memref<819200x64xf32, #tpu.memory_space<hbm>> -> memref<128x64xf32, #tpu.memory_space<hbm>>
    tpu.enqueue_dma source(%arg9 : memref<128x64xf32, #tpu.memory_space<vmem>>) target(%dma_start3A_84 : memref<128x64xf32, #tpu.memory_space<hbm>>) target_semaphore(%arg17 : memref<!tpu.dma_semaphore, #tpu.memory_space<semaphore_mem>>)
    %dma_wait3A_85 = arith.constant 0 : i32
    %dma_wait3A_86 = tpu.memref_slice %arg4[%mul3A_2, %dma_wait3A_85] : memref<819200x64xf32, #tpu.memory_space<hbm>> -> memref<128x64xf32, #tpu.memory_space<hbm>>
    %dma_wait3A_87 = arith.constant 0 : i32
    %dma_wait3A_88 = tpu.memref_slice %arg4[%mul3A_2, %dma_wait3A_87] : memref<819200x64xf32, #tpu.memory_space<hbm>> -> memref<128x64xf32, #tpu.memory_space<hbm>>
    tpu.wait_dma2 semaphore(%arg15 : memref<!tpu.dma_semaphore, #tpu.memory_space<semaphore_mem>>) src(%arg7 : memref<128x64xf32, #tpu.memory_space<vmem>>) dst(%dma_wait3A_88 : memref<128x64xf32, #tpu.memory_space<hbm>>)
    %dma_start3A_89 = arith.constant 640 : i32
    %dma_start3A_90 = tpu.memref_slice %arg5[%dma_start3A_89] : memref<25600xi32, #tpu.memory_space<vmem>> -> memref<128xi32, #tpu.memory_space<vmem>>
    %dma_start3A_91 = arith.constant 0 : i32
    %dma_start3A_92 = arith.constant 0 : i32
    %dma_start3A_93 = tpu.memref_slice %arg2[%dma_start3A_91, %dma_start3A_92] : memref<1000000x64xf32, #tpu.memory_space<hbm>> -> memref<1000000x64xf32, #tpu.memory_space<hbm>>
    tpu.enqueue_indirect_dma source(%dma_start3A_93 : memref<1000000x64xf32, #tpu.memory_space<hbm>>) target(%arg7 : memref<128x64xf32, #tpu.memory_space<vmem>>) offsets(%dma_start3A_90 : memref<128xi32, #tpu.memory_space<vmem>>) semaphore(%arg11 : memref<!tpu.dma_semaphore, #tpu.memory_space<semaphore_mem>>)
    %scan3A = arith.constant 0 : i32
    %scan3A_94 = arith.constant 1 : i32
    %scan3A_95 = arith.constant 48 : i32
    %scan3A_96 = arith.addi %scan3A_94, %scan3A_95 : i32
    %scan3A_97 = arith.constant 1 : i32
    scf.for %scan3A_189 = %scan3A_94 to %scan3A_96 step %scan3A_97  : i32 {
      %mul3A_190 = arith.constant 4 : i32
      %mul3A_191 = arith.muli %scan3A_189, %mul3A_190 : i32
      %add3A_192 = arith.constant 0 : i32
      %add3A_193 = arith.addi %mul3A_191, %add3A_192 : i32
      %dma_wait3A_194 = arith.constant 0 : i32
      %dma_wait3A_195 = tpu.memref_slice %arg5[%dma_wait3A_194] : memref<25600xi32, #tpu.memory_space<vmem>> -> memref<128xi32, #tpu.memory_space<vmem>>
      %dma_wait3A_196 = arith.constant 0 : i32
      %dma_wait3A_197 = arith.constant 0 : i32
      %dma_wait3A_198 = tpu.memref_slice %arg2[%dma_wait3A_196, %dma_wait3A_197] : memref<1000000x64xf32, #tpu.memory_space<hbm>> -> memref<1000000x64xf32, #tpu.memory_space<hbm>>
      tpu.wait_indirect_dma semaphore(%arg10 : memref<!tpu.dma_semaphore, #tpu.memory_space<semaphore_mem>>) src(%dma_wait3A_198 : memref<1000000x64xf32, #tpu.memory_space<hbm>>) dst(%arg6 : memref<128x64xf32, #tpu.memory_space<vmem>>)
      %parallel_loop3A_199 = arith.constant 0 : i32
      %parallel_loop3A_200 = arith.constant 512 : i32
      %parallel_loop3A_201 = arith.constant 1 : i32
      scf.for %parallel_loop3A_308 = %parallel_loop3A_199 to %parallel_loop3A_200 step %parallel_loop3A_201  : i32 {
        %parallel_loop3A_309 = arith.constant 2 : i32
        %parallel_loop3A_310 = arith.shrui %parallel_loop3A_308, %parallel_loop3A_309 : i32
        %parallel_loop3A_311 = arith.constant 3 : i32
        %parallel_loop3A_312 = arith.andi %parallel_loop3A_308, %parallel_loop3A_311 : i32
        %parallel_loop3A_313 = arith.constant 4 : i32
        %parallel_loop3A_314 = arith.shli %parallel_loop3A_312, %parallel_loop3A_313 : i32
        %parallel_loop3A_315 = arith.index_cast %parallel_loop3A_310 : i32 to index
        %parallel_loop3A_316 = arith.index_cast %parallel_loop3A_314 : i32 to index
        %parallel_loop3A_317 = tpu.vector_load %arg6[%parallel_loop3A_315, %parallel_loop3A_316] {strides = array<i32>} : memref<128x64xf32, #tpu.memory_space<vmem>>, vector<1x16xf32>,
        %parallel_loop3A_318 = vector.shape_cast %parallel_loop3A_317 : vector<1x16xf32> to vector<16xf32>
        %parallel_loop3A_319 = arith.constant 8.000000e+00 : f32
        %parallel_loop3A_320 = vector.broadcast %parallel_loop3A_319 : f32 to vector<16xf32>
        %parallel_loop3A_321 = arith.mulf %parallel_loop3A_318, %parallel_loop3A_320 : vector<16xf32>
        %parallel_loop3A_322 = arith.index_cast %parallel_loop3A_310 : i32 to index
        %parallel_loop3A_323 = arith.index_cast %parallel_loop3A_314 : i32 to index
        %parallel_loop3A_324 = tpu.vector_load %arg6[%parallel_loop3A_322, %parallel_loop3A_323] {strides = array<i32>} : memref<128x64xf32, #tpu.memory_space<vmem>>, vector<1x16xf32>,
        %parallel_loop3A_325 = vector.shape_cast %parallel_loop3A_324 : vector<1x16xf32> to vector<16xf32>
        %parallel_loop3A_326 = vector.shape_cast %parallel_loop3A_321 : vector<16xf32> to vector<1x16xf32>
        tpu.vector_store %arg6[%parallel_loop3A_322, %parallel_loop3A_323], %parallel_loop3A_326 {strides = array<i32>} : memref<128x64xf32, #tpu.memory_space<vmem>>, vector<1x16xf32>,
      } {sc.loop_unroll_factor = 8 : i64, sc.parallel_access}
      %mul3A_202 = arith.constant 128 : i32
      %mul3A_203 = arith.muli %add3A_193, %mul3A_202 : i32
      %add3A_204 = arith.addi %mul3A_2, %mul3A_203 : i32
      %dma_start3A_205 = arith.constant 0 : i32
      %dma_start3A_206 = tpu.memref_slice %arg4[%add3A_204, %dma_start3A_205] : memref<819200x64xf32, #tpu.memory_space<hbm>> -> memref<128x64xf32, #tpu.memory_space<hbm>>
      %dma_start3A_207 = arith.constant 0 : i32
      %dma_start3A_208 = tpu.memref_slice %arg4[%add3A_204, %dma_start3A_207] : memref<819200x64xf32, #tpu.memory_space<hbm>> -> memref<128x64xf32, #tpu.memory_space<hbm>>
      tpu.enqueue_dma source(%arg6 : memref<128x64xf32, #tpu.memory_space<vmem>>) target(%dma_start3A_208 : memref<128x64xf32, #tpu.memory_space<hbm>>) target_semaphore(%arg14 : memref<!tpu.dma_semaphore, #tpu.memory_space<semaphore_mem>>)
      %dma_wait3A_209 = arith.constant 0 : i32
      %dma_wait3A_210 = tpu.memref_slice %arg4[%mul3A_2, %dma_wait3A_209] : memref<819200x64xf32, #tpu.memory_space<hbm>> -> memref<128x64xf32, #tpu.memory_space<hbm>>
      %dma_wait3A_211 = arith.constant 0 : i32
      %dma_wait3A_212 = tpu.memref_slice %arg4[%mul3A_2, %dma_wait3A_211] : memref<819200x64xf32, #tpu.memory_space<hbm>> -> memref<128x64xf32, #tpu.memory_space<hbm>>
      tpu.wait_dma2 semaphore(%arg16 : memref<!tpu.dma_semaphore, #tpu.memory_space<semaphore_mem>>) src(%arg8 : memref<128x64xf32, #tpu.memory_space<vmem>>) dst(%dma_wait3A_212 : memref<128x64xf32, #tpu.memory_space<hbm>>)
      %add3A_213 = arith.constant 2 : i32
      %add3A_214 = arith.addi %add3A_193, %add3A_213 : i32
      %mul3A_215 = arith.constant 128 : i32
      %mul3A_216 = arith.muli %add3A_214, %mul3A_215 : i32
      %dma_start3A_217 = tpu.memref_slice %arg5[%mul3A_216] : memref<25600xi32, #tpu.memory_space<vmem>> -> memref<128xi32, #tpu.memory_space<vmem>>
      %dma_start3A_218 = arith.constant 0 : i32
      %dma_start3A_219 = arith.constant 0 : i32
      %dma_start3A_220 = tpu.memref_slice %arg2[%dma_start3A_218, %dma_start3A_219] : memref<1000000x64xf32, #tpu.memory_space<hbm>> -> memref<1000000x64xf32, #tpu.memory_space<hbm>>
      tpu.enqueue_indirect_dma source(%dma_start3A_220 : memref<1000000x64xf32, #tpu.memory_space<hbm>>) target(%arg8 : memref<128x64xf32, #tpu.memory_space<vmem>>) offsets(%dma_start3A_217 : memref<128xi32, #tpu.memory_space<vmem>>) semaphore(%arg12 : memref<!tpu.dma_semaphore, #tpu.memory_space<semaphore_mem>>)
      %add3A_221 = arith.constant 1 : i32
      %add3A_222 = arith.addi %mul3A_191, %add3A_221 : i32
      %dma_wait3A_223 = arith.constant 0 : i32
      %dma_wait3A_224 = tpu.memref_slice %arg5[%dma_wait3A_223] : memref<25600xi32, #tpu.memory_space<vmem>> -> memref<128xi32, #tpu.memory_space<vmem>>
      %dma_wait3A_225 = arith.constant 0 : i32
      %dma_wait3A_226 = arith.constant 0 : i32
      %dma_wait3A_227 = tpu.memref_slice %arg2[%dma_wait3A_225, %dma_wait3A_226] : memref<1000000x64xf32, #tpu.memory_space<hbm>> -> memref<1000000x64xf32, #tpu.memory_space<hbm>>
      tpu.wait_indirect_dma semaphore(%arg11 : memref<!tpu.dma_semaphore, #tpu.memory_space<semaphore_mem>>) src(%dma_wait3A_227 : memref<1000000x64xf32, #tpu.memory_space<hbm>>) dst(%arg7 : memref<128x64xf32, #tpu.memory_space<vmem>>)
      %parallel_loop3A_228 = arith.constant 0 : i32
      %parallel_loop3A_229 = arith.constant 512 : i32
      %parallel_loop3A_230 = arith.constant 1 : i32
      scf.for %parallel_loop3A_308 = %parallel_loop3A_228 to %parallel_loop3A_229 step %parallel_loop3A_230  : i32 {
        %parallel_loop3A_309 = arith.constant 2 : i32
        %parallel_loop3A_310 = arith.shrui %parallel_loop3A_308, %parallel_loop3A_309 : i32
        %parallel_loop3A_311 = arith.constant 3 : i32
        %parallel_loop3A_312 = arith.andi %parallel_loop3A_308, %parallel_loop3A_311 : i32
        %parallel_loop3A_313 = arith.constant 4 : i32
        %parallel_loop3A_314 = arith.shli %parallel_loop3A_312, %parallel_loop3A_313 : i32
        %parallel_loop3A_315 = arith.index_cast %parallel_loop3A_310 : i32 to index
        %parallel_loop3A_316 = arith.index_cast %parallel_loop3A_314 : i32 to index
        %parallel_loop3A_317 = tpu.vector_load %arg7[%parallel_loop3A_315, %parallel_loop3A_316] {strides = array<i32>} : memref<128x64xf32, #tpu.memory_space<vmem>>, vector<1x16xf32>,
        %parallel_loop3A_318 = vector.shape_cast %parallel_loop3A_317 : vector<1x16xf32> to vector<16xf32>
        %parallel_loop3A_319 = arith.constant 8.000000e+00 : f32
        %parallel_loop3A_320 = vector.broadcast %parallel_loop3A_319 : f32 to vector<16xf32>
        %parallel_loop3A_321 = arith.mulf %parallel_loop3A_318, %parallel_loop3A_320 : vector<16xf32>
        %parallel_loop3A_322 = arith.index_cast %parallel_loop3A_310 : i32 to index
        %parallel_loop3A_323 = arith.index_cast %parallel_loop3A_314 : i32 to index
        %parallel_loop3A_324 = tpu.vector_load %arg7[%parallel_loop3A_322, %parallel_loop3A_323] {strides = array<i32>} : memref<128x64xf32, #tpu.memory_space<vmem>>, vector<1x16xf32>,
        %parallel_loop3A_325 = vector.shape_cast %parallel_loop3A_324 : vector<1x16xf32> to vector<16xf32>
        %parallel_loop3A_326 = vector.shape_cast %parallel_loop3A_321 : vector<16xf32> to vector<1x16xf32>
        tpu.vector_store %arg7[%parallel_loop3A_322, %parallel_loop3A_323], %parallel_loop3A_326 {strides = array<i32>} : memref<128x64xf32, #tpu.memory_space<vmem>>, vector<1x16xf32>,
      } {sc.loop_unroll_factor = 8 : i64, sc.parallel_access}
      %mul3A_231 = arith.constant 128 : i32
      %mul3A_232 = arith.muli %add3A_222, %mul3A_231 : i32
      %add3A_233 = arith.addi %mul3A_2, %mul3A_232 : i32
      %dma_start3A_234 = arith.constant 0 : i32
      %dma_start3A_235 = tpu.memref_slice %arg4[%add3A_233, %dma_start3A_234] : memref<819200x64xf32, #tpu.memory_space<hbm>> -> memref<128x64xf32, #tpu.memory_space<hbm>>
      %dma_start3A_236 = arith.constant 0 : i32
      %dma_start3A_237 = tpu.memref_slice %arg4[%add3A_233, %dma_start3A_236] : memref<819200x64xf32, #tpu.memory_space<hbm>> -> memref<128x64xf32, #tpu.memory_space<hbm>>
      tpu.enqueue_dma source(%arg7 : memref<128x64xf32, #tpu.memory_space<vmem>>) target(%dma_start3A_237 : memref<128x64xf32, #tpu.memory_space<hbm>>) target_semaphore(%arg15 : memref<!tpu.dma_semaphore, #tpu.memory_space<semaphore_mem>>)
      %dma_wait3A_238 = arith.constant 0 : i32
      %dma_wait3A_239 = tpu.memref_slice %arg4[%mul3A_2, %dma_wait3A_238] : memref<819200x64xf32, #tpu.memory_space<hbm>> -> memref<128x64xf32, #tpu.memory_space<hbm>>
      %dma_wait3A_240 = arith.constant 0 : i32
      %dma_wait3A_241 = tpu.memref_slice %arg4[%mul3A_2, %dma_wait3A_240] : memref<819200x64xf32, #tpu.memory_space<hbm>> -> memref<128x64xf32, #tpu.memory_space<hbm>>
      tpu.wait_dma2 semaphore(%arg17 : memref<!tpu.dma_semaphore, #tpu.memory_space<semaphore_mem>>) src(%arg9 : memref<128x64xf32, #tpu.memory_space<vmem>>) dst(%dma_wait3A_241 : memref<128x64xf32, #tpu.memory_space<hbm>>)
      %add3A_242 = arith.constant 2 : i32
      %add3A_243 = arith.addi %add3A_222, %add3A_242 : i32
      %mul3A_244 = arith.constant 128 : i32
      %mul3A_245 = arith.muli %add3A_243, %mul3A_244 : i32
      %dma_start3A_246 = tpu.memref_slice %arg5[%mul3A_245] : memref<25600xi32, #tpu.memory_space<vmem>> -> memref<128xi32, #tpu.memory_space<vmem>>
      %dma_start3A_247 = arith.constant 0 : i32
      %dma_start3A_248 = arith.constant 0 : i32
      %dma_start3A_249 = tpu.memref_slice %arg2[%dma_start3A_247, %dma_start3A_248] : memref<1000000x64xf32, #tpu.memory_space<hbm>> -> memref<1000000x64xf32, #tpu.memory_space<hbm>>
      tpu.enqueue_indirect_dma source(%dma_start3A_249 : memref<1000000x64xf32, #tpu.memory_space<hbm>>) target(%arg9 : memref<128x64xf32, #tpu.memory_space<vmem>>) offsets(%dma_start3A_246 : memref<128xi32, #tpu.memory_space<vmem>>) semaphore(%arg13 : memref<!tpu.dma_semaphore, #tpu.memory_space<semaphore_mem>>)
      %add3A_250 = arith.constant 2 : i32
      %add3A_251 = arith.addi %mul3A_191, %add3A_250 : i32
      %dma_wait3A_252 = arith.constant 0 : i32
      %dma_wait3A_253 = tpu.memref_slice %arg5[%dma_wait3A_252] : memref<25600xi32, #tpu.memory_space<vmem>> -> memref<128xi32, #tpu.memory_space<vmem>>
      %dma_wait3A_254 = arith.constant 0 : i32
      %dma_wait3A_255 = arith.constant 0 : i32
      %dma_wait3A_256 = tpu.memref_slice %arg2[%dma_wait3A_254, %dma_wait3A_255] : memref<1000000x64xf32, #tpu.memory_space<hbm>> -> memref<1000000x64xf32, #tpu.memory_space<hbm>>
      tpu.wait_indirect_dma semaphore(%arg12 : memref<!tpu.dma_semaphore, #tpu.memory_space<semaphore_mem>>) src(%dma_wait3A_256 : memref<1000000x64xf32, #tpu.memory_space<hbm>>) dst(%arg8 : memref<128x64xf32, #tpu.memory_space<vmem>>)
      %parallel_loop3A_257 = arith.constant 0 : i32
      %parallel_loop3A_258 = arith.constant 512 : i32
      %parallel_loop3A_259 = arith.constant 1 : i32
      scf.for %parallel_loop3A_308 = %parallel_loop3A_257 to %parallel_loop3A_258 step %parallel_loop3A_259  : i32 {
        %parallel_loop3A_309 = arith.constant 2 : i32
        %parallel_loop3A_310 = arith.shrui %parallel_loop3A_308, %parallel_loop3A_309 : i32
        %parallel_loop3A_311 = arith.constant 3 : i32
        %parallel_loop3A_312 = arith.andi %parallel_loop3A_308, %parallel_loop3A_311 : i32
        %parallel_loop3A_313 = arith.constant 4 : i32
        %parallel_loop3A_314 = arith.shli %parallel_loop3A_312, %parallel_loop3A_313 : i32
        %parallel_loop3A_315 = arith.index_cast %parallel_loop3A_310 : i32 to index
        %parallel_loop3A_316 = arith.index_cast %parallel_loop3A_314 : i32 to index
        %parallel_loop3A_317 = tpu.vector_load %arg8[%parallel_loop3A_315, %parallel_loop3A_316] {strides = array<i32>} : memref<128x64xf32, #tpu.memory_space<vmem>>, vector<1x16xf32>,
        %parallel_loop3A_318 = vector.shape_cast %parallel_loop3A_317 : vector<1x16xf32> to vector<16xf32>
        %parallel_loop3A_319 = arith.constant 8.000000e+00 : f32
        %parallel_loop3A_320 = vector.broadcast %parallel_loop3A_319 : f32 to vector<16xf32>
        %parallel_loop3A_321 = arith.mulf %parallel_loop3A_318, %parallel_loop3A_320 : vector<16xf32>
        %parallel_loop3A_322 = arith.index_cast %parallel_loop3A_310 : i32 to index
        %parallel_loop3A_323 = arith.index_cast %parallel_loop3A_314 : i32 to index
        %parallel_loop3A_324 = tpu.vector_load %arg8[%parallel_loop3A_322, %parallel_loop3A_323] {strides = array<i32>} : memref<128x64xf32, #tpu.memory_space<vmem>>, vector<1x16xf32>,
        %parallel_loop3A_325 = vector.shape_cast %parallel_loop3A_324 : vector<1x16xf32> to vector<16xf32>
        %parallel_loop3A_326 = vector.shape_cast %parallel_loop3A_321 : vector<16xf32> to vector<1x16xf32>
        tpu.vector_store %arg8[%parallel_loop3A_322, %parallel_loop3A_323], %parallel_loop3A_326 {strides = array<i32>} : memref<128x64xf32, #tpu.memory_space<vmem>>, vector<1x16xf32>,
      } {sc.loop_unroll_factor = 8 : i64, sc.parallel_access}
      %mul3A_260 = arith.constant 128 : i32
      %mul3A_261 = arith.muli %add3A_251, %mul3A_260 : i32
      %add3A_262 = arith.addi %mul3A_2, %mul3A_261 : i32
      %dma_start3A_263 = arith.constant 0 : i32
      %dma_start3A_264 = tpu.memref_slice %arg4[%add3A_262, %dma_start3A_263] : memref<819200x64xf32, #tpu.memory_space<hbm>> -> memref<128x64xf32, #tpu.memory_space<hbm>>
      %dma_start3A_265 = arith.constant 0 : i32
      %dma_start3A_266 = tpu.memref_slice %arg4[%add3A_262, %dma_start3A_265] : memref<819200x64xf32, #tpu.memory_space<hbm>> -> memref<128x64xf32, #tpu.memory_space<hbm>>
      tpu.enqueue_dma source(%arg8 : memref<128x64xf32, #tpu.memory_space<vmem>>) target(%dma_start3A_266 : memref<128x64xf32, #tpu.memory_space<hbm>>) target_semaphore(%arg16 : memref<!tpu.dma_semaphore, #tpu.memory_space<semaphore_mem>>)
      %dma_wait3A_267 = arith.constant 0 : i32
      %dma_wait3A_268 = tpu.memref_slice %arg4[%mul3A_2, %dma_wait3A_267] : memref<819200x64xf32, #tpu.memory_space<hbm>> -> memref<128x64xf32, #tpu.memory_space<hbm>>
      %dma_wait3A_269 = arith.constant 0 : i32
      %dma_wait3A_270 = tpu.memref_slice %arg4[%mul3A_2, %dma_wait3A_269] : memref<819200x64xf32, #tpu.memory_space<hbm>> -> memref<128x64xf32, #tpu.memory_space<hbm>>
      tpu.wait_dma2 semaphore(%arg14 : memref<!tpu.dma_semaphore, #tpu.memory_space<semaphore_mem>>) src(%arg6 : memref<128x64xf32, #tpu.memory_space<vmem>>) dst(%dma_wait3A_270 : memref<128x64xf32, #tpu.memory_space<hbm>>)
      %add3A_271 = arith.constant 2 : i32
      %add3A_272 = arith.addi %add3A_251, %add3A_271 : i32
      %mul3A_273 = arith.constant 128 : i32
      %mul3A_274 = arith.muli %add3A_272, %mul3A_273 : i32
      %dma_start3A_275 = tpu.memref_slice %arg5[%mul3A_274] : memref<25600xi32, #tpu.memory_space<vmem>> -> memref<128xi32, #tpu.memory_space<vmem>>
      %dma_start3A_276 = arith.constant 0 : i32
      %dma_start3A_277 = arith.constant 0 : i32
      %dma_start3A_278 = tpu.memref_slice %arg2[%dma_start3A_276, %dma_start3A_277] : memref<1000000x64xf32, #tpu.memory_space<hbm>> -> memref<1000000x64xf32, #tpu.memory_space<hbm>>
      tpu.enqueue_indirect_dma source(%dma_start3A_278 : memref<1000000x64xf32, #tpu.memory_space<hbm>>) target(%arg6 : memref<128x64xf32, #tpu.memory_space<vmem>>) offsets(%dma_start3A_275 : memref<128xi32, #tpu.memory_space<vmem>>) semaphore(%arg10 : memref<!tpu.dma_semaphore, #tpu.memory_space<semaphore_mem>>)
      %add3A_279 = arith.constant 3 : i32
      %add3A_280 = arith.addi %mul3A_191, %add3A_279 : i32
      %dma_wait3A_281 = arith.constant 0 : i32
      %dma_wait3A_282 = tpu.memref_slice %arg5[%dma_wait3A_281] : memref<25600xi32, #tpu.memory_space<vmem>> -> memref<128xi32, #tpu.memory_space<vmem>>
      %dma_wait3A_283 = arith.constant 0 : i32
      %dma_wait3A_284 = arith.constant 0 : i32
      %dma_wait3A_285 = tpu.memref_slice %arg2[%dma_wait3A_283, %dma_wait3A_284] : memref<1000000x64xf32, #tpu.memory_space<hbm>> -> memref<1000000x64xf32, #tpu.memory_space<hbm>>
      tpu.wait_indirect_dma semaphore(%arg13 : memref<!tpu.dma_semaphore, #tpu.memory_space<semaphore_mem>>) src(%dma_wait3A_285 : memref<1000000x64xf32, #tpu.memory_space<hbm>>) dst(%arg9 : memref<128x64xf32, #tpu.memory_space<vmem>>)
      %parallel_loop3A_286 = arith.constant 0 : i32
      %parallel_loop3A_287 = arith.constant 512 : i32
      %parallel_loop3A_288 = arith.constant 1 : i32
      scf.for %parallel_loop3A_308 = %parallel_loop3A_286 to %parallel_loop3A_287 step %parallel_loop3A_288  : i32 {
        %parallel_loop3A_309 = arith.constant 2 : i32
        %parallel_loop3A_310 = arith.shrui %parallel_loop3A_308, %parallel_loop3A_309 : i32
        %parallel_loop3A_311 = arith.constant 3 : i32
        %parallel_loop3A_312 = arith.andi %parallel_loop3A_308, %parallel_loop3A_311 : i32
        %parallel_loop3A_313 = arith.constant 4 : i32
        %parallel_loop3A_314 = arith.shli %parallel_loop3A_312, %parallel_loop3A_313 : i32
        %parallel_loop3A_315 = arith.index_cast %parallel_loop3A_310 : i32 to index
        %parallel_loop3A_316 = arith.index_cast %parallel_loop3A_314 : i32 to index
        %parallel_loop3A_317 = tpu.vector_load %arg9[%parallel_loop3A_315, %parallel_loop3A_316] {strides = array<i32>} : memref<128x64xf32, #tpu.memory_space<vmem>>, vector<1x16xf32>,
        %parallel_loop3A_318 = vector.shape_cast %parallel_loop3A_317 : vector<1x16xf32> to vector<16xf32>
        %parallel_loop3A_319 = arith.constant 8.000000e+00 : f32
        %parallel_loop3A_320 = vector.broadcast %parallel_loop3A_319 : f32 to vector<16xf32>
        %parallel_loop3A_321 = arith.mulf %parallel_loop3A_318, %parallel_loop3A_320 : vector<16xf32>
        %parallel_loop3A_322 = arith.index_cast %parallel_loop3A_310 : i32 to index
        %parallel_loop3A_323 = arith.index_cast %parallel_loop3A_314 : i32 to index
        %parallel_loop3A_324 = tpu.vector_load %arg9[%parallel_loop3A_322, %parallel_loop3A_323] {strides = array<i32>} : memref<128x64xf32, #tpu.memory_space<vmem>>, vector<1x16xf32>,
        %parallel_loop3A_325 = vector.shape_cast %parallel_loop3A_324 : vector<1x16xf32> to vector<16xf32>
        %parallel_loop3A_326 = vector.shape_cast %parallel_loop3A_321 : vector<16xf32> to vector<1x16xf32>
        tpu.vector_store %arg9[%parallel_loop3A_322, %parallel_loop3A_323], %parallel_loop3A_326 {strides = array<i32>} : memref<128x64xf32, #tpu.memory_space<vmem>>, vector<1x16xf32>,
      } {sc.loop_unroll_factor = 8 : i64, sc.parallel_access}
      %mul3A_289 = arith.constant 128 : i32
      %mul3A_290 = arith.muli %add3A_280, %mul3A_289 : i32
      %add3A_291 = arith.addi %mul3A_2, %mul3A_290 : i32
      %dma_start3A_292 = arith.constant 0 : i32
      %dma_start3A_293 = tpu.memref_slice %arg4[%add3A_291, %dma_start3A_292] : memref<819200x64xf32, #tpu.memory_space<hbm>> -> memref<128x64xf32, #tpu.memory_space<hbm>>
      %dma_start3A_294 = arith.constant 0 : i32
      %dma_start3A_295 = tpu.memref_slice %arg4[%add3A_291, %dma_start3A_294] : memref<819200x64xf32, #tpu.memory_space<hbm>> -> memref<128x64xf32, #tpu.memory_space<hbm>>
      tpu.enqueue_dma source(%arg9 : memref<128x64xf32, #tpu.memory_space<vmem>>) target(%dma_start3A_295 : memref<128x64xf32, #tpu.memory_space<hbm>>) target_semaphore(%arg17 : memref<!tpu.dma_semaphore, #tpu.memory_space<semaphore_mem>>)
      %dma_wait3A_296 = arith.constant 0 : i32
      %dma_wait3A_297 = tpu.memref_slice %arg4[%mul3A_2, %dma_wait3A_296] : memref<819200x64xf32, #tpu.memory_space<hbm>> -> memref<128x64xf32, #tpu.memory_space<hbm>>
      %dma_wait3A_298 = arith.constant 0 : i32
      %dma_wait3A_299 = tpu.memref_slice %arg4[%mul3A_2, %dma_wait3A_298] : memref<819200x64xf32, #tpu.memory_space<hbm>> -> memref<128x64xf32, #tpu.memory_space<hbm>>
      tpu.wait_dma2 semaphore(%arg15 : memref<!tpu.dma_semaphore, #tpu.memory_space<semaphore_mem>>) src(%arg7 : memref<128x64xf32, #tpu.memory_space<vmem>>) dst(%dma_wait3A_299 : memref<128x64xf32, #tpu.memory_space<hbm>>)
      %add3A_300 = arith.constant 2 : i32
      %add3A_301 = arith.addi %add3A_280, %add3A_300 : i32
      %mul3A_302 = arith.constant 128 : i32
      %mul3A_303 = arith.muli %add3A_301, %mul3A_302 : i32
      %dma_start3A_304 = tpu.memref_slice %arg5[%mul3A_303] : memref<25600xi32, #tpu.memory_space<vmem>> -> memref<128xi32, #tpu.memory_space<vmem>>
      %dma_start3A_305 = arith.constant 0 : i32
      %dma_start3A_306 = arith.constant 0 : i32
      %dma_start3A_307 = tpu.memref_slice %arg2[%dma_start3A_305, %dma_start3A_306] : memref<1000000x64xf32, #tpu.memory_space<hbm>> -> memref<1000000x64xf32, #tpu.memory_space<hbm>>
      tpu.enqueue_indirect_dma source(%dma_start3A_307 : memref<1000000x64xf32, #tpu.memory_space<hbm>>) target(%arg7 : memref<128x64xf32, #tpu.memory_space<vmem>>) offsets(%dma_start3A_304 : memref<128xi32, #tpu.memory_space<vmem>>) semaphore(%arg11 : memref<!tpu.dma_semaphore, #tpu.memory_space<semaphore_mem>>)
    }
    %scan3A_98 = arith.constant 48 : i32
    %dma_wait3A_99 = arith.constant 0 : i32
    %dma_wait3A_100 = tpu.memref_slice %arg5[%dma_wait3A_99] : memref<25600xi32, #tpu.memory_space<vmem>> -> memref<128xi32, #tpu.memory_space<vmem>>
    %dma_wait3A_101 = arith.constant 0 : i32
    %dma_wait3A_102 = arith.constant 0 : i32
    %dma_wait3A_103 = tpu.memref_slice %arg2[%dma_wait3A_101, %dma_wait3A_102] : memref<1000000x64xf32, #tpu.memory_space<hbm>> -> memref<1000000x64xf32, #tpu.memory_space<hbm>>
    tpu.wait_indirect_dma semaphore(%arg10 : memref<!tpu.dma_semaphore, #tpu.memory_space<semaphore_mem>>) src(%dma_wait3A_103 : memref<1000000x64xf32, #tpu.memory_space<hbm>>) dst(%arg6 : memref<128x64xf32, #tpu.memory_space<vmem>>)
    %parallel_loop3A_104 = arith.constant 0 : i32
    %parallel_loop3A_105 = arith.constant 512 : i32
    %parallel_loop3A_106 = arith.constant 1 : i32
    scf.for %parallel_loop3A_189 = %parallel_loop3A_104 to %parallel_loop3A_105 step %parallel_loop3A_106  : i32 {
      %parallel_loop3A_190 = arith.constant 2 : i32
      %parallel_loop3A_191 = arith.shrui %parallel_loop3A_189, %parallel_loop3A_190 : i32
      %parallel_loop3A_192 = arith.constant 3 : i32
      %parallel_loop3A_193 = arith.andi %parallel_loop3A_189, %parallel_loop3A_192 : i32
      %parallel_loop3A_194 = arith.constant 4 : i32
      %parallel_loop3A_195 = arith.shli %parallel_loop3A_193, %parallel_loop3A_194 : i32
      %parallel_loop3A_196 = arith.index_cast %parallel_loop3A_191 : i32 to index
      %parallel_loop3A_197 = arith.index_cast %parallel_loop3A_195 : i32 to index
      %parallel_loop3A_198 = tpu.vector_load %arg6[%parallel_loop3A_196, %parallel_loop3A_197] {strides = array<i32>} : memref<128x64xf32, #tpu.memory_space<vmem>>, vector<1x16xf32>,
      %parallel_loop3A_199 = vector.shape_cast %parallel_loop3A_198 : vector<1x16xf32> to vector<16xf32>
      %parallel_loop3A_200 = arith.constant 8.000000e+00 : f32
      %parallel_loop3A_201 = vector.broadcast %parallel_loop3A_200 : f32 to vector<16xf32>
      %parallel_loop3A_202 = arith.mulf %parallel_loop3A_199, %parallel_loop3A_201 : vector<16xf32>
      %parallel_loop3A_203 = arith.index_cast %parallel_loop3A_191 : i32 to index
      %parallel_loop3A_204 = arith.index_cast %parallel_loop3A_195 : i32 to index
      %parallel_loop3A_205 = tpu.vector_load %arg6[%parallel_loop3A_203, %parallel_loop3A_204] {strides = array<i32>} : memref<128x64xf32, #tpu.memory_space<vmem>>, vector<1x16xf32>,
      %parallel_loop3A_206 = vector.shape_cast %parallel_loop3A_205 : vector<1x16xf32> to vector<16xf32>
      %parallel_loop3A_207 = vector.shape_cast %parallel_loop3A_202 : vector<16xf32> to vector<1x16xf32>
      tpu.vector_store %arg6[%parallel_loop3A_203, %parallel_loop3A_204], %parallel_loop3A_207 {strides = array<i32>} : memref<128x64xf32, #tpu.memory_space<vmem>>, vector<1x16xf32>,
    } {sc.loop_unroll_factor = 8 : i64, sc.parallel_access}
    %add3A_107 = arith.constant 25088 : i32
    %add3A_108 = arith.addi %mul3A_2, %add3A_107 : i32
    %dma_start3A_109 = arith.constant 0 : i32
    %dma_start3A_110 = tpu.memref_slice %arg4[%add3A_108, %dma_start3A_109] : memref<819200x64xf32, #tpu.memory_space<hbm>> -> memref<128x64xf32, #tpu.memory_space<hbm>>
    %dma_start3A_111 = arith.constant 0 : i32
    %dma_start3A_112 = tpu.memref_slice %arg4[%add3A_108, %dma_start3A_111] : memref<819200x64xf32, #tpu.memory_space<hbm>> -> memref<128x64xf32, #tpu.memory_space<hbm>>
    tpu.enqueue_dma source(%arg6 : memref<128x64xf32, #tpu.memory_space<vmem>>) target(%dma_start3A_112 : memref<128x64xf32, #tpu.memory_space<hbm>>) target_semaphore(%arg14 : memref<!tpu.dma_semaphore, #tpu.memory_space<semaphore_mem>>)
    %dma_wait3A_113 = arith.constant 0 : i32
    %dma_wait3A_114 = tpu.memref_slice %arg4[%mul3A_2, %dma_wait3A_113] : memref<819200x64xf32, #tpu.memory_space<hbm>> -> memref<128x64xf32, #tpu.memory_space<hbm>>
    %dma_wait3A_115 = arith.constant 0 : i32
    %dma_wait3A_116 = tpu.memref_slice %arg4[%mul3A_2, %dma_wait3A_115] : memref<819200x64xf32, #tpu.memory_space<hbm>> -> memref<128x64xf32, #tpu.memory_space<hbm>>
    tpu.wait_dma2 semaphore(%arg16 : memref<!tpu.dma_semaphore, #tpu.memory_space<semaphore_mem>>) src(%arg8 : memref<128x64xf32, #tpu.memory_space<vmem>>) dst(%dma_wait3A_116 : memref<128x64xf32, #tpu.memory_space<hbm>>)
    %dma_start3A_117 = arith.constant 25344 : i32
    %dma_start3A_118 = tpu.memref_slice %arg5[%dma_start3A_117] : memref<25600xi32, #tpu.memory_space<vmem>> -> memref<128xi32, #tpu.memory_space<vmem>>
    %dma_start3A_119 = arith.constant 0 : i32
    %dma_start3A_120 = arith.constant 0 : i32
    %dma_start3A_121 = tpu.memref_slice %arg2[%dma_start3A_119, %dma_start3A_120] : memref<1000000x64xf32, #tpu.memory_space<hbm>> -> memref<1000000x64xf32, #tpu.memory_space<hbm>>
    tpu.enqueue_indirect_dma source(%dma_start3A_121 : memref<1000000x64xf32, #tpu.memory_space<hbm>>) target(%arg8 : memref<128x64xf32, #tpu.memory_space<vmem>>) offsets(%dma_start3A_118 : memref<128xi32, #tpu.memory_space<vmem>>) semaphore(%arg12 : memref<!tpu.dma_semaphore, #tpu.memory_space<semaphore_mem>>)
    %dma_wait3A_122 = arith.constant 0 : i32
    %dma_wait3A_123 = tpu.memref_slice %arg5[%dma_wait3A_122] : memref<25600xi32, #tpu.memory_space<vmem>> -> memref<128xi32, #tpu.memory_space<vmem>>
    %dma_wait3A_124 = arith.constant 0 : i32
    %dma_wait3A_125 = arith.constant 0 : i32
    %dma_wait3A_126 = tpu.memref_slice %arg2[%dma_wait3A_124, %dma_wait3A_125] : memref<1000000x64xf32, #tpu.memory_space<hbm>> -> memref<1000000x64xf32, #tpu.memory_space<hbm>>
    tpu.wait_indirect_dma semaphore(%arg11 : memref<!tpu.dma_semaphore, #tpu.memory_space<semaphore_mem>>) src(%dma_wait3A_126 : memref<1000000x64xf32, #tpu.memory_space<hbm>>) dst(%arg7 : memref<128x64xf32, #tpu.memory_space<vmem>>)
    %parallel_loop3A_127 = arith.constant 0 : i32
    %parallel_loop3A_128 = arith.constant 512 : i32
    %parallel_loop3A_129 = arith.constant 1 : i32
    scf.for %parallel_loop3A_189 = %parallel_loop3A_127 to %parallel_loop3A_128 step %parallel_loop3A_129  : i32 {
      %parallel_loop3A_190 = arith.constant 2 : i32
      %parallel_loop3A_191 = arith.shrui %parallel_loop3A_189, %parallel_loop3A_190 : i32
      %parallel_loop3A_192 = arith.constant 3 : i32
      %parallel_loop3A_193 = arith.andi %parallel_loop3A_189, %parallel_loop3A_192 : i32
      %parallel_loop3A_194 = arith.constant 4 : i32
      %parallel_loop3A_195 = arith.shli %parallel_loop3A_193, %parallel_loop3A_194 : i32
      %parallel_loop3A_196 = arith.index_cast %parallel_loop3A_191 : i32 to index
      %parallel_loop3A_197 = arith.index_cast %parallel_loop3A_195 : i32 to index
      %parallel_loop3A_198 = tpu.vector_load %arg7[%parallel_loop3A_196, %parallel_loop3A_197] {strides = array<i32>} : memref<128x64xf32, #tpu.memory_space<vmem>>, vector<1x16xf32>,
      %parallel_loop3A_199 = vector.shape_cast %parallel_loop3A_198 : vector<1x16xf32> to vector<16xf32>
      %parallel_loop3A_200 = arith.constant 8.000000e+00 : f32
      %parallel_loop3A_201 = vector.broadcast %parallel_loop3A_200 : f32 to vector<16xf32>
      %parallel_loop3A_202 = arith.mulf %parallel_loop3A_199, %parallel_loop3A_201 : vector<16xf32>
      %parallel_loop3A_203 = arith.index_cast %parallel_loop3A_191 : i32 to index
      %parallel_loop3A_204 = arith.index_cast %parallel_loop3A_195 : i32 to index
      %parallel_loop3A_205 = tpu.vector_load %arg7[%parallel_loop3A_203, %parallel_loop3A_204] {strides = array<i32>} : memref<128x64xf32, #tpu.memory_space<vmem>>, vector<1x16xf32>,
      %parallel_loop3A_206 = vector.shape_cast %parallel_loop3A_205 : vector<1x16xf32> to vector<16xf32>
      %parallel_loop3A_207 = vector.shape_cast %parallel_loop3A_202 : vector<16xf32> to vector<1x16xf32>
      tpu.vector_store %arg7[%parallel_loop3A_203, %parallel_loop3A_204], %parallel_loop3A_207 {strides = array<i32>} : memref<128x64xf32, #tpu.memory_space<vmem>>, vector<1x16xf32>,
    } {sc.loop_unroll_factor = 8 : i64, sc.parallel_access}
    %add3A_130 = arith.constant 25216 : i32
    %add3A_131 = arith.addi %mul3A_2, %add3A_130 : i32
    %dma_start3A_132 = arith.constant 0 : i32
    %dma_start3A_133 = tpu.memref_slice %arg4[%add3A_131, %dma_start3A_132] : memref<819200x64xf32, #tpu.memory_space<hbm>> -> memref<128x64xf32, #tpu.memory_space<hbm>>
    %dma_start3A_134 = arith.constant 0 : i32
    %dma_start3A_135 = tpu.memref_slice %arg4[%add3A_131, %dma_start3A_134] : memref<819200x64xf32, #tpu.memory_space<hbm>> -> memref<128x64xf32, #tpu.memory_space<hbm>>
    tpu.enqueue_dma source(%arg7 : memref<128x64xf32, #tpu.memory_space<vmem>>) target(%dma_start3A_135 : memref<128x64xf32, #tpu.memory_space<hbm>>) target_semaphore(%arg15 : memref<!tpu.dma_semaphore, #tpu.memory_space<semaphore_mem>>)
    %dma_wait3A_136 = arith.constant 0 : i32
    %dma_wait3A_137 = tpu.memref_slice %arg4[%mul3A_2, %dma_wait3A_136] : memref<819200x64xf32, #tpu.memory_space<hbm>> -> memref<128x64xf32, #tpu.memory_space<hbm>>
    %dma_wait3A_138 = arith.constant 0 : i32
    %dma_wait3A_139 = tpu.memref_slice %arg4[%mul3A_2, %dma_wait3A_138] : memref<819200x64xf32, #tpu.memory_space<hbm>> -> memref<128x64xf32, #tpu.memory_space<hbm>>
    tpu.wait_dma2 semaphore(%arg17 : memref<!tpu.dma_semaphore, #tpu.memory_space<semaphore_mem>>) src(%arg9 : memref<128x64xf32, #tpu.memory_space<vmem>>) dst(%dma_wait3A_139 : memref<128x64xf32, #tpu.memory_space<hbm>>)
    %dma_start3A_140 = arith.constant 25472 : i32
    %dma_start3A_141 = tpu.memref_slice %arg5[%dma_start3A_140] : memref<25600xi32, #tpu.memory_space<vmem>> -> memref<128xi32, #tpu.memory_space<vmem>>
    %dma_start3A_142 = arith.constant 0 : i32
    %dma_start3A_143 = arith.constant 0 : i32
    %dma_start3A_144 = tpu.memref_slice %arg2[%dma_start3A_142, %dma_start3A_143] : memref<1000000x64xf32, #tpu.memory_space<hbm>> -> memref<1000000x64xf32, #tpu.memory_space<hbm>>
    tpu.enqueue_indirect_dma source(%dma_start3A_144 : memref<1000000x64xf32, #tpu.memory_space<hbm>>) target(%arg9 : memref<128x64xf32, #tpu.memory_space<vmem>>) offsets(%dma_start3A_141 : memref<128xi32, #tpu.memory_space<vmem>>) semaphore(%arg13 : memref<!tpu.dma_semaphore, #tpu.memory_space<semaphore_mem>>)
    %dma_wait3A_145 = arith.constant 0 : i32
    %dma_wait3A_146 = tpu.memref_slice %arg5[%dma_wait3A_145] : memref<25600xi32, #tpu.memory_space<vmem>> -> memref<128xi32, #tpu.memory_space<vmem>>
    %dma_wait3A_147 = arith.constant 0 : i32
    %dma_wait3A_148 = arith.constant 0 : i32
    %dma_wait3A_149 = tpu.memref_slice %arg2[%dma_wait3A_147, %dma_wait3A_148] : memref<1000000x64xf32, #tpu.memory_space<hbm>> -> memref<1000000x64xf32, #tpu.memory_space<hbm>>
    tpu.wait_indirect_dma semaphore(%arg12 : memref<!tpu.dma_semaphore, #tpu.memory_space<semaphore_mem>>) src(%dma_wait3A_149 : memref<1000000x64xf32, #tpu.memory_space<hbm>>) dst(%arg8 : memref<128x64xf32, #tpu.memory_space<vmem>>)
    %parallel_loop3A_150 = arith.constant 0 : i32
    %parallel_loop3A_151 = arith.constant 512 : i32
    %parallel_loop3A_152 = arith.constant 1 : i32
    scf.for %parallel_loop3A_189 = %parallel_loop3A_150 to %parallel_loop3A_151 step %parallel_loop3A_152  : i32 {
      %parallel_loop3A_190 = arith.constant 2 : i32
      %parallel_loop3A_191 = arith.shrui %parallel_loop3A_189, %parallel_loop3A_190 : i32
      %parallel_loop3A_192 = arith.constant 3 : i32
      %parallel_loop3A_193 = arith.andi %parallel_loop3A_189, %parallel_loop3A_192 : i32
      %parallel_loop3A_194 = arith.constant 4 : i32
      %parallel_loop3A_195 = arith.shli %parallel_loop3A_193, %parallel_loop3A_194 : i32
      %parallel_loop3A_196 = arith.index_cast %parallel_loop3A_191 : i32 to index
      %parallel_loop3A_197 = arith.index_cast %parallel_loop3A_195 : i32 to index
      %parallel_loop3A_198 = tpu.vector_load %arg8[%parallel_loop3A_196, %parallel_loop3A_197] {strides = array<i32>} : memref<128x64xf32, #tpu.memory_space<vmem>>, vector<1x16xf32>,
      %parallel_loop3A_199 = vector.shape_cast %parallel_loop3A_198 : vector<1x16xf32> to vector<16xf32>
      %parallel_loop3A_200 = arith.constant 8.000000e+00 : f32
      %parallel_loop3A_201 = vector.broadcast %parallel_loop3A_200 : f32 to vector<16xf32>
      %parallel_loop3A_202 = arith.mulf %parallel_loop3A_199, %parallel_loop3A_201 : vector<16xf32>
      %parallel_loop3A_203 = arith.index_cast %parallel_loop3A_191 : i32 to index
      %parallel_loop3A_204 = arith.index_cast %parallel_loop3A_195 : i32 to index
      %parallel_loop3A_205 = tpu.vector_load %arg8[%parallel_loop3A_203, %parallel_loop3A_204] {strides = array<i32>} : memref<128x64xf32, #tpu.memory_space<vmem>>, vector<1x16xf32>,
      %parallel_loop3A_206 = vector.shape_cast %parallel_loop3A_205 : vector<1x16xf32> to vector<16xf32>
      %parallel_loop3A_207 = vector.shape_cast %parallel_loop3A_202 : vector<16xf32> to vector<1x16xf32>
      tpu.vector_store %arg8[%parallel_loop3A_203, %parallel_loop3A_204], %parallel_loop3A_207 {strides = array<i32>} : memref<128x64xf32, #tpu.memory_space<vmem>>, vector<1x16xf32>,
    } {sc.loop_unroll_factor = 8 : i64, sc.parallel_access}
    %add3A_153 = arith.constant 25344 : i32
    %add3A_154 = arith.addi %mul3A_2, %add3A_153 : i32
    %dma_start3A_155 = arith.constant 0 : i32
    %dma_start3A_156 = tpu.memref_slice %arg4[%add3A_154, %dma_start3A_155] : memref<819200x64xf32, #tpu.memory_space<hbm>> -> memref<128x64xf32, #tpu.memory_space<hbm>>
    %dma_start3A_157 = arith.constant 0 : i32
    %dma_start3A_158 = tpu.memref_slice %arg4[%add3A_154, %dma_start3A_157] : memref<819200x64xf32, #tpu.memory_space<hbm>> -> memref<128x64xf32, #tpu.memory_space<hbm>>
    tpu.enqueue_dma source(%arg8 : memref<128x64xf32, #tpu.memory_space<vmem>>) target(%dma_start3A_158 : memref<128x64xf32, #tpu.memory_space<hbm>>) target_semaphore(%arg16 : memref<!tpu.dma_semaphore, #tpu.memory_space<semaphore_mem>>)
    %dma_wait3A_159 = arith.constant 0 : i32
    %dma_wait3A_160 = tpu.memref_slice %arg5[%dma_wait3A_159] : memref<25600xi32, #tpu.memory_space<vmem>> -> memref<128xi32, #tpu.memory_space<vmem>>
    %dma_wait3A_161 = arith.constant 0 : i32
    %dma_wait3A_162 = arith.constant 0 : i32
    %dma_wait3A_163 = tpu.memref_slice %arg2[%dma_wait3A_161, %dma_wait3A_162] : memref<1000000x64xf32, #tpu.memory_space<hbm>> -> memref<1000000x64xf32, #tpu.memory_space<hbm>>
    tpu.wait_indirect_dma semaphore(%arg13 : memref<!tpu.dma_semaphore, #tpu.memory_space<semaphore_mem>>) src(%dma_wait3A_163 : memref<1000000x64xf32, #tpu.memory_space<hbm>>) dst(%arg9 : memref<128x64xf32, #tpu.memory_space<vmem>>)
    %parallel_loop3A_164 = arith.constant 0 : i32
    %parallel_loop3A_165 = arith.constant 512 : i32
    %parallel_loop3A_166 = arith.constant 1 : i32
    scf.for %parallel_loop3A_189 = %parallel_loop3A_164 to %parallel_loop3A_165 step %parallel_loop3A_166  : i32 {
      %parallel_loop3A_190 = arith.constant 2 : i32
      %parallel_loop3A_191 = arith.shrui %parallel_loop3A_189, %parallel_loop3A_190 : i32
      %parallel_loop3A_192 = arith.constant 3 : i32
      %parallel_loop3A_193 = arith.andi %parallel_loop3A_189, %parallel_loop3A_192 : i32
      %parallel_loop3A_194 = arith.constant 4 : i32
      %parallel_loop3A_195 = arith.shli %parallel_loop3A_193, %parallel_loop3A_194 : i32
      %parallel_loop3A_196 = arith.index_cast %parallel_loop3A_191 : i32 to index
      %parallel_loop3A_197 = arith.index_cast %parallel_loop3A_195 : i32 to index
      %parallel_loop3A_198 = tpu.vector_load %arg9[%parallel_loop3A_196, %parallel_loop3A_197] {strides = array<i32>} : memref<128x64xf32, #tpu.memory_space<vmem>>, vector<1x16xf32>,
      %parallel_loop3A_199 = vector.shape_cast %parallel_loop3A_198 : vector<1x16xf32> to vector<16xf32>
      %parallel_loop3A_200 = arith.constant 8.000000e+00 : f32
      %parallel_loop3A_201 = vector.broadcast %parallel_loop3A_200 : f32 to vector<16xf32>
      %parallel_loop3A_202 = arith.mulf %parallel_loop3A_199, %parallel_loop3A_201 : vector<16xf32>
      %parallel_loop3A_203 = arith.index_cast %parallel_loop3A_191 : i32 to index
      %parallel_loop3A_204 = arith.index_cast %parallel_loop3A_195 : i32 to index
      %parallel_loop3A_205 = tpu.vector_load %arg9[%parallel_loop3A_203, %parallel_loop3A_204] {strides = array<i32>} : memref<128x64xf32, #tpu.memory_space<vmem>>, vector<1x16xf32>,
      %parallel_loop3A_206 = vector.shape_cast %parallel_loop3A_205 : vector<1x16xf32> to vector<16xf32>
      %parallel_loop3A_207 = vector.shape_cast %parallel_loop3A_202 : vector<16xf32> to vector<1x16xf32>
      tpu.vector_store %arg9[%parallel_loop3A_203, %parallel_loop3A_204], %parallel_loop3A_207 {strides = array<i32>} : memref<128x64xf32, #tpu.memory_space<vmem>>, vector<1x16xf32>,
    } {sc.loop_unroll_factor = 8 : i64, sc.parallel_access}
    %add3A_167 = arith.constant 25472 : i32
    %add3A_168 = arith.addi %mul3A_2, %add3A_167 : i32
    %dma_start3A_169 = arith.constant 0 : i32
    %dma_start3A_170 = tpu.memref_slice %arg4[%add3A_168, %dma_start3A_169] : memref<819200x64xf32, #tpu.memory_space<hbm>> -> memref<128x64xf32, #tpu.memory_space<hbm>>
    %dma_start3A_171 = arith.constant 0 : i32
    %dma_start3A_172 = tpu.memref_slice %arg4[%add3A_168, %dma_start3A_171] : memref<819200x64xf32, #tpu.memory_space<hbm>> -> memref<128x64xf32, #tpu.memory_space<hbm>>
    tpu.enqueue_dma source(%arg9 : memref<128x64xf32, #tpu.memory_space<vmem>>) target(%dma_start3A_172 : memref<128x64xf32, #tpu.memory_space<hbm>>) target_semaphore(%arg17 : memref<!tpu.dma_semaphore, #tpu.memory_space<semaphore_mem>>)
    %dma_wait3A_173 = arith.constant 0 : i32
    %dma_wait3A_174 = tpu.memref_slice %arg4[%mul3A_2, %dma_wait3A_173] : memref<819200x64xf32, #tpu.memory_space<hbm>> -> memref<128x64xf32, #tpu.memory_space<hbm>>
    %dma_wait3A_175 = arith.constant 0 : i32
    %dma_wait3A_176 = tpu.memref_slice %arg4[%mul3A_2, %dma_wait3A_175] : memref<819200x64xf32, #tpu.memory_space<hbm>> -> memref<128x64xf32, #tpu.memory_space<hbm>>
    tpu.wait_dma2 semaphore(%arg14 : memref<!tpu.dma_semaphore, #tpu.memory_space<semaphore_mem>>) src(%arg6 : memref<128x64xf32, #tpu.memory_space<vmem>>) dst(%dma_wait3A_176 : memref<128x64xf32, #tpu.memory_space<hbm>>)
    %dma_wait3A_177 = arith.constant 0 : i32
    %dma_wait3A_178 = tpu.memref_slice %arg4[%mul3A_2, %dma_wait3A_177] : memref<819200x64xf32, #tpu.memory_space<hbm>> -> memref<128x64xf32, #tpu.memory_space<hbm>>
    %dma_wait3A_179 = arith.constant 0 : i32
    %dma_wait3A_180 = tpu.memref_slice %arg4[%mul3A_2, %dma_wait3A_179] : memref<819200x64xf32, #tpu.memory_space<hbm>> -> memref<128x64xf32, #tpu.memory_space<hbm>>
    tpu.wait_dma2 semaphore(%arg15 : memref<!tpu.dma_semaphore, #tpu.memory_space<semaphore_mem>>) src(%arg7 : memref<128x64xf32, #tpu.memory_space<vmem>>) dst(%dma_wait3A_180 : memref<128x64xf32, #tpu.memory_space<hbm>>)
    %dma_wait3A_181 = arith.constant 0 : i32
    %dma_wait3A_182 = tpu.memref_slice %arg4[%mul3A_2, %dma_wait3A_181] : memref<819200x64xf32, #tpu.memory_space<hbm>> -> memref<128x64xf32, #tpu.memory_space<hbm>>
    %dma_wait3A_183 = arith.constant 0 : i32
    %dma_wait3A_184 = tpu.memref_slice %arg4[%mul3A_2, %dma_wait3A_183] : memref<819200x64xf32, #tpu.memory_space<hbm>> -> memref<128x64xf32, #tpu.memory_space<hbm>>
    tpu.wait_dma2 semaphore(%arg16 : memref<!tpu.dma_semaphore, #tpu.memory_space<semaphore_mem>>) src(%arg8 : memref<128x64xf32, #tpu.memory_space<vmem>>) dst(%dma_wait3A_184 : memref<128x64xf32, #tpu.memory_space<hbm>>)
    %dma_wait3A_185 = arith.constant 0 : i32
    %dma_wait3A_186 = tpu.memref_slice %arg4[%mul3A_2, %dma_wait3A_185] : memref<819200x64xf32, #tpu.memory_space<hbm>> -> memref<128x64xf32, #tpu.memory_space<hbm>>
    %dma_wait3A_187 = arith.constant 0 : i32
    %dma_wait3A_188 = tpu.memref_slice %arg4[%mul3A_2, %dma_wait3A_187] : memref<819200x64xf32, #tpu.memory_space<hbm>> -> memref<128x64xf32, #tpu.memory_space<hbm>>
    tpu.wait_dma2 semaphore(%arg17 : memref<!tpu.dma_semaphore, #tpu.memory_space<semaphore_mem>>) src(%arg9 : memref<128x64xf32, #tpu.memory_space<vmem>>) dst(%dma_wait3A_188 : memref<128x64xf32, #tpu.memory_space<hbm>>)
    return
  }
}

</mosaic_0001>

<sc_bundles>
// kernel: _embed_gather.3.cloned.1.call-start
scs
__scs_entry_jumppad:
0x0: {  	(pc) =	sbr.rel $0x88, $3  }
0x1: {  	(tag) =	ssettag $0x0;
	lr =	simm.s32 $0x1  }
0x2: {  	[smem:$0x3F9F] =	sst lr;
	_ =	strace $0xD0000000  }
0x3: {  	_ = 	snop  }
0x4: {  	_ = 	snop  }
0x5: {  	_ = 	snop  }
0x6: {  	_ = 	snop  }
0x7: {  	_ = 	snop  }
__scs_overlays_trampoline_lowered:
0x8: {  	[smem:$0x3FAE] =	sst s0  }
0x9: {  	[smem:$0x3FAF] =	sst s1  }
0xa: {  	[smem:$0x3FB0] =	sst s2  }
0xb: {  	[smem:$0x3FB1] =	sst s3  }
0xc: {  	[smem:$0x3FB2] =	sst s4  }
0xd: {  	[smem:$0x3FB3] =	sst s5  }
0xe: {  	[smem:$0x3FB4] =	sst s6  }
0xf: {  	[smem:$0x3FB5] =	sst s7  }
0x10: {  	[smem:$0x3FB6] =	sst s8  }
0x11: {  	[smem:$0x3FB7] =	sst s9;
	s0 =	simm.s32 @!p0 $0x0  }
0x12: {  	s1 =	sld [smem:$0x3F9D];
	s0 =	simm.s32 @p0 $0x1  }
0x13: {  	[smem:$0x3FB8] =	sst s0;
	s0 =	simm.s32 @!p1 $0x0  }
0x14: {  	s2 =	sld [smem:$0x3F9C];
	s0 =	simm.s32 @p1 $0x1  }
0x15: {  	[smem:$0x3FB9] =	sst s0;
	s0 =	simm.s32 @!p2 $0x0  }
0x16: {  	s3 =	sld [smem:$0x3FDB];
	s0 =	simm.s32 @p2 $0x1  }
0x17: {  	s4 =	simm.s32 $0x1BF5;
	[smem:$0x3FBB] =	sst s0  }
0x18: {  	s0 =	sld [smem:$0x3F9E];
	_ =	swait.ge [sflag:s4], $0x0  }
0x19: {  	s7 =	sld [smem:$0x3F9F]  }
0x1a: {  	s8 =	sadd.s32 $0xFFFFE003, lr  }
0x1b: {  	s9 =	sadd.s32 $0xFFFFFEF7, lr;
	s5 =	simm.s32 $0xFFFFFFFF;
	p2 =	slt.u32 s8, $0xFFFFF086  }
0x1c: {  	p1 =	slt.u32 s9, $0xF7A;
	s5 =	simm.s32 @!p2 $0x0  }
0x1d: {  	s5 =	simm.s32 @p1 $0x1;
	p0 =	seq.s32 s7, s2  }
0x1e: {  	s7 =	smul.u32 @!p0 $0xF7A, s2;
	p2 =	seq.s32 @!p0 s5, $0x0  }
0x1f: {  	s9 =	smul.u32 $0xF7A, s1;
	s8 =	simm.s32 @!p0 $0x1BF5;
	p2 =	por !p2, p0  }
0x20: {  	[sflag:s8] =	ssyncset.s32 @!p0 $0xFFFFF086;
	s6 =	sadd.s32 @!p0 s3, s7;
	s7 =	simm.s32 @!p0 $0x108  }
0x21: {  	s3 =	sadd.s32 s3, s9;
	s6 =	sadd.s32 @!p0 $0x88, s6;
	s7 =	simm.s32 @p2 $0x1082  }
0x22: {  	[simem:s7], [sflag:s8] =	dma.local @!p0 [hbm:s6], $0xF7A  }
0x23: {  	s9 =	sor.u32 $0xD0000000, s2;
	s6 =	simm.s32 $0x108;
	_ =	swait.ge @!p0 [sflag:s8], $0x0  }
0x24: {  	s3 =	sadd.s32 $0x88, s3;
	s6 =	simm.s32 @!p1 $0x1082;
	[sflag:s4] =	ssyncset.s32 $0xFFFFF086  }
0x25: {  	[simem:s6], [sflag:s4] =	dma.local [hbm:s3], $0xF7A  }
0x26: {  	[smem:$0x3F9F] =	sst s1;
	(tag) =	ssettag s2;
	_ =	strace s9  }
0x27: {  	s1 =	sld [smem:$0x3FAF]  }
0x28: {  	s2 =	sld [smem:$0x3FB0]  }
0x29: {  	s4 =	sld [smem:$0x3FB2]  }
0x2a: {  	p0 =	seq.s32 s5, $0x0;
	s5 =	sld [smem:$0x3FB3]  }
0x2b: {  	s6 =	sld [smem:$0x3FB4]  }
0x2c: {  	s7 =	sld [smem:$0x3FB5]  }
0x2d: {  	s3 =	simm.s32 $0x108;
	s8 =	sld [smem:$0x3FB6]  }
0x2e: {  	s3 =	simm.s32 @!p0 $0x1082;
	s9 =	sld [smem:$0x3FB7]  }
0x2f: {  	lr =	sadd.s32 s0, s3;
	s0 =	sld [smem:$0x3FAE]  }
0x30: {  	s3 =	sld [smem:$0x3FB1]  }
0x31: {  	[smem:$0x3FBA] =	sst s10  }
0x32: {  	s10 =	sld [smem:$0x3FB8];
	_ =	sdelay $0x3  }
0x33: {  	p0 =	seq.s32 s10, $0x1;
	s10 =	sld [smem:$0x3FBA];
	_ =	sdelay $0x3  }
0x34: {  	[smem:$0x3FBA] =	sst s10  }
0x35: {  	s10 =	sld [smem:$0x3FB9];
	_ =	sdelay $0x3  }
0x36: {  	p1 =	seq.s32 s10, $0x1;
	s10 =	sld [smem:$0x3FBA];
	_ =	sdelay $0x3  }
0x37: {  	[smem:$0x3FBA] =	sst s10  }
0x38: {  	s10 =	sld [smem:$0x3FBB]  }
0x39: {  	_ = 	snop;
	(pc) =	sbr.ind lr, $3  }
0x3a: {  	_ = 	snop  }
0x3b: {  	_ = 	snop  }
0x3c: {  	p2 =	seq.s32 s10, $0x1;
	s10 =	sld [smem:$0x3FBA]  }
0x3d: {  	_ =	shalt  }
0x3e: {  	_ =	shalt  }
0x3f: {  	_ =	shalt  }
0x40: {  	_ =	shalt  }
0x41: {  	_ =	shalt  }
0x42: {  	_ =	shalt  }
0x43: {  	_ =	shalt  }
0x44: {  	_ =	shalt  }
0x45: {  	_ =	shalt  }
0x46: {  	_ =	shalt  }
0x47: {  	_ =	shalt  }
0x48: {  	_ =	shalt  }
0x49: {  	_ =	shalt  }
0x4a: {  	_ =	shalt  }
0x4b: {  	_ =	shalt  }
0x4c: {  	_ =	shalt  }
0x4d: {  	_ =	shalt  }
0x4e: {  	_ =	shalt  }
0x4f: {  	_ =	shalt  }
0x50: {  	_ =	shalt  }
0x51: {  	_ =	shalt  }
0x52: {  	_ =	shalt  }
0x53: {  	_ =	shalt  }
0x54: {  	_ =	shalt  }
0x55: {  	_ =	shalt  }
0x56: {  	_ =	shalt  }
0x57: {  	_ =	shalt  }
0x58: {  	_ =	shalt  }
0x59: {  	_ =	shalt  }
0x5a: {  	_ =	shalt  }
0x5b: {  	_ =	shalt  }
0x5c: {  	_ =	shalt  }
0x5d: {  	_ =	shalt  }
0x5e: {  	_ =	shalt  }
0x5f: {  	_ =	shalt  }
0x60: {  	_ =	shalt  }
0x61: {  	_ =	shalt  }
0x62: {  	_ =	shalt  }
0x63: {  	_ =	shalt  }
0x64: {  	_ =	shalt  }
0x65: {  	_ =	shalt  }
0x66: {  	_ =	shalt  }
0x67: {  	_ =	shalt  }
0x68: {  	_ =	shalt  }
0x69: {  	_ =	shalt  }
0x6a: {  	_ =	shalt  }
0x6b: {  	_ =	shalt  }
0x6c: {  	_ =	shalt  }
0x6d: {  	_ =	shalt  }
0x6e: {  	_ =	shalt  }
0x6f: {  	_ =	shalt  }
0x70: {  	_ =	shalt  }
0x71: {  	_ =	shalt  }
0x72: {  	_ =	shalt  }
0x73: {  	_ =	shalt  }
0x74: {  	_ =	shalt  }
0x75: {  	_ =	shalt  }
0x76: {  	_ =	shalt  }
0x77: {  	_ =	shalt  }
0x78: {  	_ =	shalt  }
0x79: {  	_ =	shalt  }
0x7a: {  	_ =	shalt  }
0x7b: {  	_ =	shalt  }
0x7c: {  	_ =	shalt  }
0x7d: {  	_ =	shalt  }
0x7e: {  	_ =	shalt  }
0x7f: {  	_ =	shalt  }
0x80: {  	_ =	shalt  }
0x81: {  	_ =	shalt  }
0x82: {  	_ =	shalt  }
0x83: {  	_ =	shalt  }
0x84: {  	_ =	shalt  }
0x85: {  	_ =	shalt  }
0x86: {  	_ =	shalt  }
0x87: {  	_ =	shalt  }
.Lfunc_end0:
.L_simem_size_0:
called_computation.1_lowered:
.L_overlay_start_0:
0x88: {  	s2 =	sld [smem:$0x3FD9]  }
0x89: {  	s3 =	sld [smem:$0x3FFE];
	_ =	sdelay $0x1  }
0x8a: {  	s1 =	srdreg.scid  }
0x8b: {  	s0 =	sand.u32 $0x1, s1  }
0x8c: {  	s17 =	sshll.u32 s0, $0xA;
	s2 =	sadd.s32 s3, s2  }
0x8d: {  	s2 =	sadd.s32 s2, s17  }
0x8e: {  	[smem:$0x3FC6] =	sst s2  }
0x8f: {  	_ = 	snop  }
0x90: {  	s2 =	sld [smem:$0x3FC8]  }
0x91: {  	s18 =	sld [smem:$0x3FD0];
	(tm) =	ssettm $0x1  }
0x92: {  	s4 =	sld [smem:$0x3FFB];
	_ =	sdelay $0x3  }
0x93: {  	_ =	strace s4  }
0x94: {  	s4 =	sld [smem:$0x3FFC];
	_ =	sdelay $0x3  }
0x95: {  	_ =	strace s4  }
0x96: {  	s4 =	sld [smem:$0x3FFD];
	_ =	sdelay $0x3  }
0x97: {  	_ =	strace s4  }
0x98: {  	_ =	strace $0x8FFFFFFF  }
0x99: {  	s19 =	sld [smem:$0x3FDB];
	_ =	sdelay $0x1  }
0x9a: {  	s5 =	simm.s32 $_scs_section_size  }
0x9b: {  	s6 =	simm.s32 $_size__tile_overlayer_lowered;
	s7 =	simm.s32 $_tile_overlayer_lowered  }
0x9c: {  	s22 =	simm.s32 $0x1BFF;
	s21 =	sshll.u32 s7, $0x1;
	s4 =	sadd.s32 s5, s19  }
0x9d: {  	s8 =	simm.s32 $0x0;
	s20 =	sshll.u32 s6, $0x1;
	s6 =	sadd.s32 s21, s4  }
0x9e: {  	[timem:s8], [sflag:s22] =	dma.local [hbm:s6], s20  }
0x9f: {  	_ =	swait.ge [sflag:s22], s20  }
0xa0: {  	s5 =	ssub.s32 $0x0, s20;
	[sflag:s22] =	ssyncset.done $0x0  }
0xa1: {  	[sflag:s22] =	ssyncadd.s32 s5;
	_ =	sdelay $0x1  }
0xa2: {  	s23 =	simm.s32 $0x1B8B  }
0xa3: {  	_ =	swait.ge [sflag:s23], $0x1  }
0xa4: {  	[sflag:s23] =	ssyncset.done $0x0  }
0xa5: {  	s25 =	simm.s32 $0x1B8E;
	s24 =	sld [smem:$0x3FFE];
	[sflag:s23] =	ssyncadd.s32 $0xFFFFFFFF  }
0xa6: {  	s26 =	simm.s32 $execute0_lowered;
	[smem:$0x3FD2] =	sst s25  }
0xa7: {  	s6 =	sshll.u32 s26, $0x1;
	_ =	strace $0x80000046;
	[dreg:$0x1] =	wrdreg $0xFFFFFFFF  }
0xa8: {  	s28 =	simm.s32 $_size_execute0_lowered;
	s4 =	sadd.s32 s4, s6;
	[dreg:$0x0] =	wrdreg $0x0  }
0xa9: {  	s6 =	sshll.u32 s28, $0x1;
	[dreg:$0x2] =	wrdreg s4  }
0xaa: {  	[dreg:$0x3] =	wrdreg s6  }
0xab: {  	[dreg:$0x4] =	wrdreg $0xC0  }
0xac: {  	_ =	task [dreg:s8], $0x5FFFF  }
0xad: {  	[dreg:$0x1] =	wrdreg $0xFFFFFFFF  }
0xae: {  	[dreg:$0x0] =	wrdreg $0x60  }
0xaf: {  	[dreg:$0x2] =	wrdreg s24  }
0xb0: {  	[dreg:$0x3] =	wrdreg s2  }
0xb1: {  	[dreg:$0x4] =	wrdreg s18  }
0xb2: {  	[dreg:$0x5] =	wrdreg $0x9  }
0xb3: {  	_ =	task.clear_ibuf [dreg:s8], $0x6FFFF;
	_ =	strace $0x90000046  }
0xb4: {  	s29 =	simm.s32 $0x9;
	_ =	strace $0x80000048  }
0xb5: {  	_ =	swait.ge [sflag:s29], $0x1  }
0xb6: {  	[sflag:s29] =	ssyncadd.s32 $0xFFFFFFFF  }
0xb7: {  	_ =	strace $0x90000048  }
0xb8: {  	_ =	sfence  }
0xb9: {  	s30 =	sld [smem:$0x0];
	_ =	sdelay $0x2  }
0xba: {  	s31 =	sshll.u32 s1, $0xD;
	s1 =	sshrl.u32 s1, $0x2  }
0xbb: {  	s3 =	sand.u32 $0x4000, s31;
	s1 =	sadd.s32 s1, s30  }
0xbc: {  	s0 =	sor.u32 s3, s0;
	s1 =	sshll.u32 s1, $0x11  }
0xbd: {  	s0 =	sor.u32 s1, s0  }
0xbe: {  	s0 =	sadd.s32 $0x8F2B, s0  }
0xbf: {  	[sflag:s0] =	ssyncadd.remote.s32 $0x1  }
0xc0: {  	_ =	sfence.sel $0xFFFF  }
0xc1: {  	[dreg:$0x0] =	wrdreg $0xFFFFFFFF;
	(pc) =	sbr.abs _section_cstart, $3  }
0xc2: {  	[dreg:$0x1] =	wrdreg $0xFFFFFFFF  }
0xc3: {  	_ =	task.clear_ibuf [dreg:s8], $0x2FFFF;
	_ =	strace $0x9FFFFFFF  }
0xc4: {  	(tm) =	ssettm $0x7FFFFFFF  }
0xc5: {  	_ =	shalt  }
tec
execute0_lowered:
.L_overlay_start_1:
0x0: {  	(tag) =	ssettag $0x1  }
0x1: {  	s0 =	rddreg [dreg:$0x0]  }
0x2: {  	s1 =	rddreg [dreg:$0x1];
	s3 =	srdreg.scid  }
0x3: {  	s4 =	stileid.u32;
	s2 =	rddreg [dreg:$0x2];
	s18 =	simm.s32 $0x9  }
0x4: {  	s19 =	simm.s32 $0x80;
	s28 =	simm.s32 $0xC400;
	s29 =	simm.s32 $0x3  }
0x5: {  	s30 =	simm.s32 $0x5;
	s5 =	sand.u32 $0x1, s3;
	s4 =	sshll.u32 s4, $0x1  }
0x6: {  	s31 =	simm.s32 $0x8;
	s3 =	simm.s32 $0x0;
	s6 =	sor.u32 s5, s4  }
0x7: {  	[smem:$0x7FF] =	sst s3;
	s7 =	ssub.s32 $0x2, s5;
	s4 =	smul.u32 $0x6400, s6  }
0x8: {  	s5 =	sadd.s32 $0xF42C00, s0;
	s8 =	smul.u32 $0x32000, s6;
	s20 =	sshrl.u32 s7, $0x1  }
0x9: {  	_ =	strace $0x80000047;
	s6 =	smul.u32 $0x190000, s6;
	s0 =	ssub.s32 s7, s20  }
0xa: {  	s20 =	simm.s32 $0x6400;
	s9 =	sshrl.u32 s4, $0x3;
	s7 =	sadd.s32 s2, s8  }
0xb: {  	s22 =	sshrl.u32 s6, $0x3;
	s12 =	sor.u32 $0x80, s4;
	s1 =	sadd.s32 s1, s9  }
0xc: {  	s17 =	smax.u32 s0, $0x1;
	s21 =	sadd.s32 $0x400, s7;
	[dreg:$0x4] =	wrdreg s1  }
0xd: {  	s0 =	simm.s32 $0x6;
	s8 =	sadd.s32 $0x800, s7;
	[dreg:$0x5] =	wrdreg s21  }
0xe: {  	s23 =	sadd.s32 $0xC00, s7;
	[dreg:$0x6] =	wrdreg s8;
	s1 =	sadd.s32 s2, s22  }
0xf: {  	[dreg:$0x7] =	wrdreg s23;
	s21 =	simm.s32 $0x8400;
	s24 =	sadd.s32 $0x31000, s1  }
0x10: {  	s22 =	simm.s32 $0x1;
	s25 =	sadd.s32 $0x31400, s1;
	[dreg:$0x8] =	wrdreg s24  }
0x11: {  	s23 =	simm.s32 $0x0;
	s26 =	sadd.s32 $0x31800, s1;
	[dreg:$0x9] =	wrdreg s25  }
0x12: {  	s16 =	sadd.s32 $0x31C00, s1;
	s1 =	simm.s32 $0x4;
	[dreg:$0xa] =	wrdreg s26  }
0x13: {  	s24 =	simm.s32 $0xA400;
	s25 =	simm.s32 $0x2;
	s26 =	simm.s32 $0x7  }
.LBB2_1:
0x14: {  	s8 =	rddreg [dreg:$0x4]  }
0x15: {  	[tilespmem:s3], [sflag:$0x9] =	stream.linear.gather [hbm4b:s8+s3], $0x6400, $0x38;
	[tilespmem:$0xE400] =	vst v63  }
0x16: {  	_ =	swait.ge [sflag:s18], $0x6400  }
0x17: {  	[sflag:s18] =	ssyncset.done $0x0  }
0x18: {  	[sflag:s18] =	ssyncadd.s32 $0xFFFF9C00  }
0x19: {  	[tilespmem:s20], [sflag:$0x1] =	stream.indirect.gather [hbm4b:s5+s19], $0x40, s3, s19, $0xb8;
	[tilespmem:$0xE400] =	vst v63  }
0x1a: {  	_ = 	snop  }
0x1b: {  	[tilespmem:s21], [sflag:$0x2] =	stream.indirect.gather [hbm4b:s5+s19], $0x40, s19, s19, $0xb8;
	[tilespmem:$0xE400] =	vst v63  }
0x1c: {  	_ =	swait.ge [sflag:s22], $0x2000  }
0x1d: {  	[sflag:s22] =	ssyncset.done $0x0  }
0x1e: {  	s8 =	simm.s32 $0x6440;
	[sflag:s22] =	ssyncadd.s32 $0xFFFFE000  }
0x1f: {  	v2 =	vld [tilespmem:s8+$0x30]  }
0x20: {  	v4 =	vld [tilespmem:s8+$0xFFFFFFD0]  }
0x21: {  	v6 =	vld [tilespmem:s8+$0xFFFFFFE0]  }
0x22: {  	v3 =	vld [tilespmem:s8+$0xFFFFFFF0]  }
0x23: {  	v1 =	vld [tilespmem:s8+$0x0]  }
0x24: {  	v0 =	vld [tilespmem:s8+$0x10];
	v7 =	vmul.f32 $8.000000000e+00, v2  }
0x25: {  	v2 =	vld [tilespmem:s8+$0x20];
	v5 =	vmul.f32 $8.000000000e+00, v4  }
0x26: {  	s9 =	simm.s32 $0x0;
	s10 =	simm.s32 $0x64C0;
	v4 =	vld [tilespmem:s8+$0xFFFFFFC0];
	v6 =	vmul.f32 $8.000000000e+00, v6;
	[tilespmem:s8+$0x30] =	vst v7  }
.LBB2_2:
0x27: {  	v7 =	vld [tilespmem:s10+$0x30];
	s9 =	sadd.s32 $0x8, s9;
	[tilespmem:s8+$0xFFFFFFD0] =	vst v5;
	v3 =	vmul.f32 $8.000000000e+00, v3  }
0x28: {  	v5 =	vld [tilespmem:s10+$0xFFFFFFD0];
	p0 =	slt.u32 s9, $0x1F8;
	[tilespmem:s8+$0xFFFFFFE0] =	vst v6;
	v1 =	vmul.f32 $8.000000000e+00, v1  }
0x29: {  	v6 =	vld [tilespmem:s10+$0xFFFFFFE0];
	[tilespmem:s8+$0xFFFFFFF0] =	vst v3;
	v0 =	vmul.f32 $8.000000000e+00, v0  }
.Ltmp0:
0x2a: {  	v3 =	vld [tilespmem:s10+$0xFFFFFFF0];
	[tilespmem:s8+$0x0] =	vst v1;
	v2 =	vmul.f32 $8.000000000e+00, v2;
	(pc) =	sbr.rel @p0 .LBB2_2-.Ltmp0, $4  }
0x2b: {  	v1 =	vld [tilespmem:s10+$0x0];
	v4 =	vmul.f32 $8.000000000e+00, v4;
	[tilespmem:s8+$0x10] =	vst v0  }
0x2c: {  	v0 =	vld [tilespmem:s10+$0x10];
	v7 =	vmul.f32 $8.000000000e+00, v7;
	[tilespmem:s8+$0x20] =	vst v2  }
0x2d: {  	v5 =	vmul.f32 $8.000000000e+00, v5;
	v2 =	vld [tilespmem:s10+$0x20];
	[tilespmem:s8+$0xFFFFFFC0] =	vst v4;
	s8 =	smov.u32 s10  }
0x2e: {  	s10 =	sadd.s32 $0x80, s10;
	v4 =	vld [tilespmem:s8+$0xFFFFFFC0];
	v6 =	vmul.f32 $8.000000000e+00, v6;
	[tilespmem:s8+$0x30] =	vst v7  }
0x2f: {  	[tilespmem:s8+$0xFFFFFFD0] =	vst v5;
	v3 =	vmul.f32 $8.000000000e+00, v3  }
0x30: {  	[tilespmem:s8+$0xFFFFFFE0] =	vst v6;
	v1 =	vmul.f32 $8.000000000e+00, v1  }
0x31: {  	[tilespmem:s8+$0xFFFFFFF0] =	vst v3;
	v0 =	vmul.f32 $8.000000000e+00, v0  }
0x32: {  	[tilespmem:s8+$0x0] =	vst v1;
	v1 =	vmul.f32 $8.000000000e+00, v2  }
0x33: {  	v2 =	vmul.f32 $8.000000000e+00, v4;
	[tilespmem:s8+$0x10] =	vst v0  }
0x34: {  	[tilespmem:s8+$0x20] =	vst v1  }
0x35: {  	[tilespmem:s8+$0xFFFFFFC0] =	vst v2  }
0x36: {  	[hbm4b:s7+s3] =	stream.linear.scatter [tilespmem:s20], [sflag:$0x5], $0x2000, $0x38;
	[tilespmem:$0xE400] =	vst v63  }
0x37: {  	s15 =	simm.s32 $0x100  }
0x38: {  	[tilespmem:s24], [sflag:$0x3] =	stream.indirect.gather [hbm4b:s5+s19], $0x40, s15, s19, $0xb8;
	[tilespmem:$0xE400] =	vst v63  }
0x39: {  	_ =	swait.ge [sflag:s25], $0x2000  }
0x3a: {  	[sflag:s25] =	ssyncset.done $0x0  }
0x3b: {  	s8 =	simm.s32 $0x8440;
	[sflag:s25] =	ssyncadd.s32 $0xFFFFE000  }
0x3c: {  	v2 =	vld [tilespmem:s8+$0x30]  }
0x3d: {  	v4 =	vld [tilespmem:s8+$0xFFFFFFD0]  }
0x3e: {  	v6 =	vld [tilespmem:s8+$0xFFFFFFE0]  }
0x3f: {  	v3 =	vld [tilespmem:s8+$0xFFFFFFF0]  }
0x40: {  	v1 =	vld [tilespmem:s8+$0x0]  }
0x41: {  	v0 =	vld [tilespmem:s8+$0x10];
	v7 =	vmul.f32 $8.000000000e+00, v2  }
0x42: {  	v2 =	vld [tilespmem:s8+$0x20];
	v5 =	vmul.f32 $8.000000000e+00, v4  }
0x43: {  	s9 =	simm.s32 $0x0;
	s10 =	simm.s32 $0x84C0;
	v4 =	vld [tilespmem:s8+$0xFFFFFFC0];
	v6 =	vmul.f32 $8.000000000e+00, v6;
	[tilespmem:s8+$0x30] =	vst v7  }
.LBB2_4:
0x44: {  	v7 =	vld [tilespmem:s10+$0x30];
	s9 =	sadd.s32 $0x8, s9;
	[tilespmem:s8+$0xFFFFFFD0] =	vst v5;
	v3 =	vmul.f32 $8.000000000e+00, v3  }
0x45: {  	v5 =	vld [tilespmem:s10+$0xFFFFFFD0];
	p0 =	slt.u32 s9, $0x1F8;
	[tilespmem:s8+$0xFFFFFFE0] =	vst v6;
	v1 =	vmul.f32 $8.000000000e+00, v1  }
0x46: {  	v6 =	vld [tilespmem:s10+$0xFFFFFFE0];
	[tilespmem:s8+$0xFFFFFFF0] =	vst v3;
	v0 =	vmul.f32 $8.000000000e+00, v0  }
.Ltmp1:
0x47: {  	v3 =	vld [tilespmem:s10+$0xFFFFFFF0];
	[tilespmem:s8+$0x0] =	vst v1;
	v2 =	vmul.f32 $8.000000000e+00, v2;
	(pc) =	sbr.rel @p0 .LBB2_4-.Ltmp1, $4  }
0x48: {  	v1 =	vld [tilespmem:s10+$0x0];
	v4 =	vmul.f32 $8.000000000e+00, v4;
	[tilespmem:s8+$0x10] =	vst v0  }
0x49: {  	v0 =	vld [tilespmem:s10+$0x10];
	v7 =	vmul.f32 $8.000000000e+00, v7;
	[tilespmem:s8+$0x20] =	vst v2  }
0x4a: {  	v5 =	vmul.f32 $8.000000000e+00, v5;
	v2 =	vld [tilespmem:s10+$0x20];
	[tilespmem:s8+$0xFFFFFFC0] =	vst v4;
	s8 =	smov.u32 s10  }
0x4b: {  	s10 =	sadd.s32 $0x80, s10;
	v4 =	vld [tilespmem:s8+$0xFFFFFFC0];
	v6 =	vmul.f32 $8.000000000e+00, v6;
	[tilespmem:s8+$0x30] =	vst v7  }
0x4c: {  	[tilespmem:s8+$0xFFFFFFD0] =	vst v5;
	v3 =	vmul.f32 $8.000000000e+00, v3  }
0x4d: {  	[tilespmem:s8+$0xFFFFFFE0] =	vst v6;
	v1 =	vmul.f32 $8.000000000e+00, v1  }
0x4e: {  	[tilespmem:s8+$0xFFFFFFF0] =	vst v3;
	v0 =	vmul.f32 $8.000000000e+00, v0  }
0x4f: {  	[tilespmem:s8+$0x0] =	vst v1;
	v1 =	vmul.f32 $8.000000000e+00, v2  }
0x50: {  	v2 =	vmul.f32 $8.000000000e+00, v4;
	[tilespmem:s8+$0x10] =	vst v0  }
0x51: {  	[tilespmem:s8+$0x20] =	vst v1  }
0x52: {  	[tilespmem:s8+$0xFFFFFFC0] =	vst v2  }
0x53: {  	s8 =	rddreg [dreg:$0x5]  }
0x54: {  	[hbm4b:s8+s3] =	stream.linear.scatter [tilespmem:s21], [sflag:$0x6], $0x2000, $0x38;
	[tilespmem:$0xE400] =	vst v63  }
0x55: {  	s15 =	simm.s32 $0x180  }
0x56: {  	[tilespmem:s28], [sflag:$0x4] =	stream.indirect.gather [hbm4b:s5+s19], $0x40, s15, s19, $0xb8;
	[tilespmem:$0xE400] =	vst v63  }
0x57: {  	_ =	swait.ge [sflag:s29], $0x2000  }
0x58: {  	[sflag:s29] =	ssyncset.done $0x0  }
0x59: {  	s8 =	simm.s32 $0xA440;
	[sflag:s29] =	ssyncadd.s32 $0xFFFFE000  }
0x5a: {  	v2 =	vld [tilespmem:s8+$0x30]  }
0x5b: {  	v4 =	vld [tilespmem:s8+$0xFFFFFFD0]  }
0x5c: {  	v6 =	vld [tilespmem:s8+$0xFFFFFFE0]  }
0x5d: {  	v3 =	vld [tilespmem:s8+$0xFFFFFFF0]  }
0x5e: {  	v1 =	vld [tilespmem:s8+$0x0]  }
0x5f: {  	v0 =	vld [tilespmem:s8+$0x10];
	v7 =	vmul.f32 $8.000000000e+00, v2  }
0x60: {  	v2 =	vld [tilespmem:s8+$0x20];
	v5 =	vmul.f32 $8.000000000e+00, v4  }
0x61: {  	s9 =	simm.s32 $0x0;
	s10 =	simm.s32 $0xA4C0;
	v4 =	vld [tilespmem:s8+$0xFFFFFFC0];
	v6 =	vmul.f32 $8.000000000e+00, v6;
	[tilespmem:s8+$0x30] =	vst v7  }
.LBB2_6:
0x62: {  	v7 =	vld [tilespmem:s10+$0x30];
	s9 =	sadd.s32 $0x8, s9;
	[tilespmem:s8+$0xFFFFFFD0] =	vst v5;
	v3 =	vmul.f32 $8.000000000e+00, v3  }
0x63: {  	v5 =	vld [tilespmem:s10+$0xFFFFFFD0];
	p0 =	slt.u32 s9, $0x1F8;
	[tilespmem:s8+$0xFFFFFFE0] =	vst v6;
	v1 =	vmul.f32 $8.000000000e+00, v1  }
0x64: {  	v6 =	vld [tilespmem:s10+$0xFFFFFFE0];
	[tilespmem:s8+$0xFFFFFFF0] =	vst v3;
	v0 =	vmul.f32 $8.000000000e+00, v0  }
.Ltmp2:
0x65: {  	v3 =	vld [tilespmem:s10+$0xFFFFFFF0];
	[tilespmem:s8+$0x0] =	vst v1;
	v2 =	vmul.f32 $8.000000000e+00, v2;
	(pc) =	sbr.rel @p0 .LBB2_6-.Ltmp2, $4  }
0x66: {  	v1 =	vld [tilespmem:s10+$0x0];
	v4 =	vmul.f32 $8.000000000e+00, v4;
	[tilespmem:s8+$0x10] =	vst v0  }
0x67: {  	v0 =	vld [tilespmem:s10+$0x10];
	v7 =	vmul.f32 $8.000000000e+00, v7;
	[tilespmem:s8+$0x20] =	vst v2  }
0x68: {  	v5 =	vmul.f32 $8.000000000e+00, v5;
	v2 =	vld [tilespmem:s10+$0x20];
	[tilespmem:s8+$0xFFFFFFC0] =	vst v4;
	s8 =	smov.u32 s10  }
0x69: {  	s10 =	sadd.s32 $0x80, s10;
	v4 =	vld [tilespmem:s8+$0xFFFFFFC0];
	v6 =	vmul.f32 $8.000000000e+00, v6;
	[tilespmem:s8+$0x30] =	vst v7  }
0x6a: {  	[tilespmem:s8+$0xFFFFFFD0] =	vst v5;
	v3 =	vmul.f32 $8.000000000e+00, v3  }
0x6b: {  	[tilespmem:s8+$0xFFFFFFE0] =	vst v6;
	v1 =	vmul.f32 $8.000000000e+00, v1  }
0x6c: {  	[tilespmem:s8+$0xFFFFFFF0] =	vst v3;
	v0 =	vmul.f32 $8.000000000e+00, v0  }
0x6d: {  	[tilespmem:s8+$0x0] =	vst v1;
	v1 =	vmul.f32 $8.000000000e+00, v2  }
0x6e: {  	v2 =	vmul.f32 $8.000000000e+00, v4;
	[tilespmem:s8+$0x10] =	vst v0  }
0x6f: {  	[tilespmem:s8+$0x20] =	vst v1  }
0x70: {  	[tilespmem:s8+$0xFFFFFFC0] =	vst v2  }
0x71: {  	s8 =	rddreg [dreg:$0x6]  }
0x72: {  	[hbm4b:s8+s3] =	stream.linear.scatter [tilespmem:s24], [sflag:$0x7], $0x2000, $0x38;
	[tilespmem:$0xE400] =	vst v63  }
0x73: {  	_ =	swait.ge [sflag:s30], $0x2000  }
0x74: {  	[sflag:s30] =	ssyncset.done $0x0  }
0x75: {  	s15 =	simm.s32 $0x200;
	[sflag:s30] =	ssyncadd.s32 $0xFFFFE000  }
0x76: {  	[tilespmem:s20], [sflag:$0x1] =	stream.indirect.gather [hbm4b:s5+s19], $0x40, s15, s19, $0xb8;
	[tilespmem:$0xE400] =	vst v63  }
0x77: {  	_ =	swait.ge [sflag:s1], $0x2000  }
0x78: {  	[sflag:s1] =	ssyncset.done $0x0  }
0x79: {  	s8 =	simm.s32 $0xC440;
	[sflag:s1] =	ssyncadd.s32 $0xFFFFE000  }
0x7a: {  	v2 =	vld [tilespmem:s8+$0x30]  }
0x7b: {  	v4 =	vld [tilespmem:s8+$0xFFFFFFD0]  }
0x7c: {  	v6 =	vld [tilespmem:s8+$0xFFFFFFE0]  }
0x7d: {  	v3 =	vld [tilespmem:s8+$0xFFFFFFF0]  }
0x7e: {  	v1 =	vld [tilespmem:s8+$0x0]  }
0x7f: {  	v0 =	vld [tilespmem:s8+$0x10];
	v7 =	vmul.f32 $8.000000000e+00, v2  }
0x80: {  	v2 =	vld [tilespmem:s8+$0x20];
	v5 =	vmul.f32 $8.000000000e+00, v4  }
0x81: {  	s9 =	simm.s32 $0x0;
	s10 =	simm.s32 $0xC4C0;
	v4 =	vld [tilespmem:s8+$0xFFFFFFC0];
	v6 =	vmul.f32 $8.000000000e+00, v6;
	[tilespmem:s8+$0x30] =	vst v7  }
.LBB2_8:
0x82: {  	v7 =	vld [tilespmem:s10+$0x30];
	s9 =	sadd.s32 $0x8, s9;
	[tilespmem:s8+$0xFFFFFFD0] =	vst v5;
	v3 =	vmul.f32 $8.000000000e+00, v3  }
0x83: {  	v5 =	vld [tilespmem:s10+$0xFFFFFFD0];
	p0 =	slt.u32 s9, $0x1F8;
	[tilespmem:s8+$0xFFFFFFE0] =	vst v6;
	v1 =	vmul.f32 $8.000000000e+00, v1  }
0x84: {  	v6 =	vld [tilespmem:s10+$0xFFFFFFE0];
	[tilespmem:s8+$0xFFFFFFF0] =	vst v3;
	v0 =	vmul.f32 $8.000000000e+00, v0  }
.Ltmp3:
0x85: {  	v3 =	vld [tilespmem:s10+$0xFFFFFFF0];
	[tilespmem:s8+$0x0] =	vst v1;
	v2 =	vmul.f32 $8.000000000e+00, v2;
	(pc) =	sbr.rel @p0 .LBB2_8-.Ltmp3, $4  }
0x86: {  	v1 =	vld [tilespmem:s10+$0x0];
	v4 =	vmul.f32 $8.000000000e+00, v4;
	[tilespmem:s8+$0x10] =	vst v0  }
0x87: {  	v0 =	vld [tilespmem:s10+$0x10];
	v7 =	vmul.f32 $8.000000000e+00, v7;
	[tilespmem:s8+$0x20] =	vst v2  }
0x88: {  	v5 =	vmul.f32 $8.000000000e+00, v5;
	v2 =	vld [tilespmem:s10+$0x20];
	[tilespmem:s8+$0xFFFFFFC0] =	vst v4;
	s8 =	smov.u32 s10  }
0x89: {  	s10 =	sadd.s32 $0x80, s10;
	v4 =	vld [tilespmem:s8+$0xFFFFFFC0];
	v6 =	vmul.f32 $8.000000000e+00, v6;
	[tilespmem:s8+$0x30] =	vst v7  }
0x8a: {  	[tilespmem:s8+$0xFFFFFFD0] =	vst v5;
	v3 =	vmul.f32 $8.000000000e+00, v3  }
0x8b: {  	[tilespmem:s8+$0xFFFFFFE0] =	vst v6;
	v1 =	vmul.f32 $8.000000000e+00, v1  }
0x8c: {  	[tilespmem:s8+$0xFFFFFFF0] =	vst v3;
	v0 =	vmul.f32 $8.000000000e+00, v0  }
0x8d: {  	[tilespmem:s8+$0x0] =	vst v1;
	v62 =	vmul.f32 $8.000000000e+00, v2  }
0x8e: {  	v63 =	vmul.f32 $8.000000000e+00, v4;
	[tilespmem:s8+$0x10] =	vst v0  }
0x8f: {  	[tilespmem:s8+$0x20] =	vst v62  }
0x90: {  	[tilespmem:s8+$0xFFFFFFC0] =	vst v63  }
0x91: {  	s8 =	rddreg [dreg:$0x7]  }
0x92: {  	[hbm4b:s8+s3] =	stream.linear.scatter [tilespmem:s28], [sflag:$0x8], $0x2000, $0x38;
	[tilespmem:$0xE400] =	vst v63  }
0x93: {  	_ =	swait.ge [sflag:s0], $0x2000  }
0x94: {  	[sflag:s0] =	ssyncset.done $0x0  }
0x95: {  	s15 =	simm.s32 $0x280;
	s8 =	simm.s32 $0x1;
	[sflag:s0] =	ssyncadd.s32 $0xFFFFE000  }
0x96: {  	[tilespmem:s21], [sflag:$0x2] =	stream.indirect.gather [hbm4b:s5+s19], $0x40, s15, s19, $0xb8;
	[tilespmem:$0xE400] =	vst v63  }
.LBB2_10:
0x97: {  	_ =	swait.ge [sflag:s22], $0x2000  }
0x98: {  	[sflag:s22] =	ssyncset.done $0x0  }
0x99: {  	s9 =	simm.s32 $0x6440;
	[sflag:s22] =	ssyncadd.s32 $0xFFFFE000  }
0x9a: {  	v2 =	vld [tilespmem:s9+$0x30]  }
0x9b: {  	v4 =	vld [tilespmem:s9+$0xFFFFFFD0]  }
0x9c: {  	v6 =	vld [tilespmem:s9+$0xFFFFFFE0]  }
0x9d: {  	v3 =	vld [tilespmem:s9+$0xFFFFFFF0]  }
0x9e: {  	v1 =	vld [tilespmem:s9+$0x0]  }
0x9f: {  	v0 =	vld [tilespmem:s9+$0x10];
	v7 =	vmul.f32 $8.000000000e+00, v2  }
0xa0: {  	v2 =	vld [tilespmem:s9+$0x20];
	v5 =	vmul.f32 $8.000000000e+00, v4  }
0xa1: {  	s10 =	simm.s32 $0x0;
	s11 =	simm.s32 $0x64C0;
	v4 =	vld [tilespmem:s9+$0xFFFFFFC0];
	v6 =	vmul.f32 $8.000000000e+00, v6;
	[tilespmem:s9+$0x30] =	vst v7  }
.LBB2_11:
0xa2: {  	v7 =	vld [tilespmem:s11+$0x30];
	s10 =	sadd.s32 $0x8, s10;
	[tilespmem:s9+$0xFFFFFFD0] =	vst v5;
	v3 =	vmul.f32 $8.000000000e+00, v3  }
0xa3: {  	v5 =	vld [tilespmem:s11+$0xFFFFFFD0];
	p0 =	slt.u32 s10, $0x1F8;
	[tilespmem:s9+$0xFFFFFFE0] =	vst v6;
	v1 =	vmul.f32 $8.000000000e+00, v1  }
0xa4: {  	v6 =	vld [tilespmem:s11+$0xFFFFFFE0];
	[tilespmem:s9+$0xFFFFFFF0] =	vst v3;
	v0 =	vmul.f32 $8.000000000e+00, v0  }
.Ltmp4:
0xa5: {  	v3 =	vld [tilespmem:s11+$0xFFFFFFF0];
	[tilespmem:s9+$0x0] =	vst v1;
	v2 =	vmul.f32 $8.000000000e+00, v2;
	(pc) =	sbr.rel @p0 .LBB2_11-.Ltmp4, $4  }
0xa6: {  	v1 =	vld [tilespmem:s11+$0x0];
	v4 =	vmul.f32 $8.000000000e+00, v4;
	[tilespmem:s9+$0x10] =	vst v0  }
0xa7: {  	v0 =	vld [tilespmem:s11+$0x10];
	v7 =	vmul.f32 $8.000000000e+00, v7;
	[tilespmem:s9+$0x20] =	vst v2  }
0xa8: {  	v5 =	vmul.f32 $8.000000000e+00, v5;
	v2 =	vld [tilespmem:s11+$0x20];
	[tilespmem:s9+$0xFFFFFFC0] =	vst v4;
	s9 =	smov.u32 s11  }
0xa9: {  	s11 =	sadd.s32 $0x80, s11;
	v4 =	vld [tilespmem:s9+$0xFFFFFFC0];
	v6 =	vmul.f32 $8.000000000e+00, v6;
	[tilespmem:s9+$0x30] =	vst v7  }
0xaa: {  	[tilespmem:s9+$0xFFFFFFD0] =	vst v5;
	v3 =	vmul.f32 $8.000000000e+00, v3  }
0xab: {  	[tilespmem:s9+$0xFFFFFFE0] =	vst v6;
	v1 =	vmul.f32 $8.000000000e+00, v1  }
0xac: {  	[tilespmem:s9+$0xFFFFFFF0] =	vst v3;
	v0 =	vmul.f32 $8.000000000e+00, v0  }
0xad: {  	s10 =	sshll.u32 s8, $0xF;
	[tilespmem:s9+$0x0] =	vst v1;
	v1 =	vmul.f32 $8.000000000e+00, v2  }
0xae: {  	s10 =	sadd.s32 s6, s10;
	v2 =	vmul.f32 $8.000000000e+00, v4;
	[tilespmem:s9+$0x10] =	vst v0  }
0xaf: {  	s10 =	sshrl.u32 s10, $0x3;
	[tilespmem:s9+$0x20] =	vst v1  }
0xb0: {  	s15 =	sadd.s32 s2, s10;
	[tilespmem:s9+$0xFFFFFFC0] =	vst v2  }
0xb1: {  	[hbm4b:s15+s3] =	stream.linear.scatter [tilespmem:s20], [sflag:$0x5], $0x2000, $0x38;
	[tilespmem:$0xE400] =	vst v63  }
0xb2: {  	_ =	swait.ge [sflag:s26], $0x2000  }
0xb3: {  	s9 =	sshll.u32 s8, $0x9;
	[sflag:s26] =	ssyncset.done $0x0  }
0xb4: {  	s11 =	sor.u32 $0x100, s9;
	[sflag:s26] =	ssyncadd.s32 $0xFFFFE000  }
0xb5: {  	[tilespmem:s24], [sflag:$0x3] =	stream.indirect.gather [hbm4b:s5+s19], $0x40, s11, s19, $0xb8;
	[tilespmem:$0xE400] =	vst v63  }
0xb6: {  	_ =	swait.ge [sflag:s25], $0x2000  }
0xb7: {  	[sflag:s25] =	ssyncset.done $0x0  }
0xb8: {  	s10 =	simm.s32 $0x8440;
	[sflag:s25] =	ssyncadd.s32 $0xFFFFE000  }
0xb9: {  	v2 =	vld [tilespmem:s10+$0x30]  }
0xba: {  	v4 =	vld [tilespmem:s10+$0xFFFFFFD0]  }
0xbb: {  	v6 =	vld [tilespmem:s10+$0xFFFFFFE0]  }
0xbc: {  	v3 =	vld [tilespmem:s10+$0xFFFFFFF0]  }
0xbd: {  	v1 =	vld [tilespmem:s10+$0x0]  }
0xbe: {  	v0 =	vld [tilespmem:s10+$0x10];
	v7 =	vmul.f32 $8.000000000e+00, v2  }
0xbf: {  	v2 =	vld [tilespmem:s10+$0x20];
	v5 =	vmul.f32 $8.000000000e+00, v4  }
0xc0: {  	s13 =	simm.s32 $0x0;
	s14 =	simm.s32 $0x84C0;
	v4 =	vld [tilespmem:s10+$0xFFFFFFC0];
	v6 =	vmul.f32 $8.000000000e+00, v6;
	[tilespmem:s10+$0x30] =	vst v7  }
.LBB2_13:
0xc1: {  	v7 =	vld [tilespmem:s14+$0x30];
	s13 =	sadd.s32 $0x8, s13;
	[tilespmem:s10+$0xFFFFFFD0] =	vst v5;
	v3 =	vmul.f32 $8.000000000e+00, v3  }
0xc2: {  	v5 =	vld [tilespmem:s14+$0xFFFFFFD0];
	p0 =	slt.u32 s13, $0x1F8;
	[tilespmem:s10+$0xFFFFFFE0] =	vst v6;
	v1 =	vmul.f32 $8.000000000e+00, v1  }
0xc3: {  	v6 =	vld [tilespmem:s14+$0xFFFFFFE0];
	[tilespmem:s10+$0xFFFFFFF0] =	vst v3;
	v0 =	vmul.f32 $8.000000000e+00, v0  }
.Ltmp5:
0xc4: {  	v3 =	vld [tilespmem:s14+$0xFFFFFFF0];
	[tilespmem:s10+$0x0] =	vst v1;
	v2 =	vmul.f32 $8.000000000e+00, v2;
	(pc) =	sbr.rel @p0 .LBB2_13-.Ltmp5, $4  }
0xc5: {  	v1 =	vld [tilespmem:s14+$0x0];
	v4 =	vmul.f32 $8.000000000e+00, v4;
	[tilespmem:s10+$0x10] =	vst v0  }
0xc6: {  	v0 =	vld [tilespmem:s14+$0x10];
	v7 =	vmul.f32 $8.000000000e+00, v7;
	[tilespmem:s10+$0x20] =	vst v2  }
0xc7: {  	v5 =	vmul.f32 $8.000000000e+00, v5;
	v2 =	vld [tilespmem:s14+$0x20];
	[tilespmem:s10+$0xFFFFFFC0] =	vst v4;
	s10 =	smov.u32 s14  }
0xc8: {  	s14 =	sadd.s32 $0x80, s14;
	v4 =	vld [tilespmem:s10+$0xFFFFFFC0];
	v6 =	vmul.f32 $8.000000000e+00, v6;
	[tilespmem:s10+$0x30] =	vst v7  }
0xc9: {  	[tilespmem:s10+$0xFFFFFFD0] =	vst v5;
	v3 =	vmul.f32 $8.000000000e+00, v3  }
0xca: {  	[tilespmem:s10+$0xFFFFFFE0] =	vst v6;
	v1 =	vmul.f32 $8.000000000e+00, v1  }
0xcb: {  	[tilespmem:s10+$0xFFFFFFF0] =	vst v3;
	v0 =	vmul.f32 $8.000000000e+00, v0  }
0xcc: {  	s13 =	sadd.s32 s9, s12;
	[tilespmem:s10+$0x0] =	vst v1;
	v1 =	vmul.f32 $8.000000000e+00, v2  }
0xcd: {  	s13 =	sshll.u32 s13, $0x3;
	v2 =	vmul.f32 $8.000000000e+00, v4;
	[tilespmem:s10+$0x10] =	vst v0  }
0xce: {  	s13 =	sand.u32 $0x1FFFF400, s13;
	[tilespmem:s10+$0x20] =	vst v1  }
0xcf: {  	s15 =	sadd.s32 s2, s13;
	[tilespmem:s10+$0xFFFFFFC0] =	vst v2  }
0xd0: {  	[hbm4b:s15+s3] =	stream.linear.scatter [tilespmem:s21], [sflag:$0x6], $0x2000, $0x38;
	[tilespmem:$0xE400] =	vst v63  }
0xd1: {  	_ =	swait.ge [sflag:s31], $0x2000  }
0xd2: {  	[sflag:s31] =	ssyncset.done $0x0  }
0xd3: {  	s10 =	sor.u32 $0x180, s9;
	[sflag:s31] =	ssyncadd.s32 $0xFFFFE000  }
0xd4: {  	[tilespmem:s28], [sflag:$0x4] =	stream.indirect.gather [hbm4b:s5+s19], $0x40, s10, s19, $0xb8;
	[tilespmem:$0xE400] =	vst v63  }
0xd5: {  	_ =	swait.ge [sflag:s29], $0x2000  }
0xd6: {  	[sflag:s29] =	ssyncset.done $0x0  }
0xd7: {  	s13 =	simm.s32 $0xA440;
	[sflag:s29] =	ssyncadd.s32 $0xFFFFE000  }
0xd8: {  	v2 =	vld [tilespmem:s13+$0x30]  }
0xd9: {  	v4 =	vld [tilespmem:s13+$0xFFFFFFD0]  }
0xda: {  	v6 =	vld [tilespmem:s13+$0xFFFFFFE0]  }
0xdb: {  	v3 =	vld [tilespmem:s13+$0xFFFFFFF0]  }
0xdc: {  	v1 =	vld [tilespmem:s13+$0x0]  }
0xdd: {  	v0 =	vld [tilespmem:s13+$0x10];
	v7 =	vmul.f32 $8.000000000e+00, v2  }
0xde: {  	v2 =	vld [tilespmem:s13+$0x20];
	v5 =	vmul.f32 $8.000000000e+00, v4  }
0xdf: {  	s14 =	simm.s32 $0x0;
	s15 =	simm.s32 $0xA4C0;
	v4 =	vld [tilespmem:s13+$0xFFFFFFC0];
	v6 =	vmul.f32 $8.000000000e+00, v6;
	[tilespmem:s13+$0x30] =	vst v7  }
.LBB2_15:
0xe0: {  	v7 =	vld [tilespmem:s15+$0x30];
	s14 =	sadd.s32 $0x8, s14;
	[tilespmem:s13+$0xFFFFFFD0] =	vst v5;
	v3 =	vmul.f32 $8.000000000e+00, v3  }
0xe1: {  	v5 =	vld [tilespmem:s15+$0xFFFFFFD0];
	p0 =	slt.u32 s14, $0x1F8;
	[tilespmem:s13+$0xFFFFFFE0] =	vst v6;
	v1 =	vmul.f32 $8.000000000e+00, v1  }
0xe2: {  	v6 =	vld [tilespmem:s15+$0xFFFFFFE0];
	[tilespmem:s13+$0xFFFFFFF0] =	vst v3;
	v0 =	vmul.f32 $8.000000000e+00, v0  }
.Ltmp6:
0xe3: {  	v3 =	vld [tilespmem:s15+$0xFFFFFFF0];
	[tilespmem:s13+$0x0] =	vst v1;
	v2 =	vmul.f32 $8.000000000e+00, v2;
	(pc) =	sbr.rel @p0 .LBB2_15-.Ltmp6, $4  }
0xe4: {  	v1 =	vld [tilespmem:s15+$0x0];
	v4 =	vmul.f32 $8.000000000e+00, v4;
	[tilespmem:s13+$0x10] =	vst v0  }
0xe5: {  	v0 =	vld [tilespmem:s15+$0x10];
	v7 =	vmul.f32 $8.000000000e+00, v7;
	[tilespmem:s13+$0x20] =	vst v2  }
0xe6: {  	v5 =	vmul.f32 $8.000000000e+00, v5;
	v2 =	vld [tilespmem:s15+$0x20];
	[tilespmem:s13+$0xFFFFFFC0] =	vst v4;
	s13 =	smov.u32 s15  }
0xe7: {  	s15 =	sadd.s32 $0x80, s15;
	v4 =	vld [tilespmem:s13+$0xFFFFFFC0];
	v6 =	vmul.f32 $8.000000000e+00, v6;
	[tilespmem:s13+$0x30] =	vst v7  }
0xe8: {  	[tilespmem:s13+$0xFFFFFFD0] =	vst v5;
	v3 =	vmul.f32 $8.000000000e+00, v3  }
0xe9: {  	[tilespmem:s13+$0xFFFFFFE0] =	vst v6;
	v1 =	vmul.f32 $8.000000000e+00, v1  }
0xea: {  	[tilespmem:s13+$0xFFFFFFF0] =	vst v3;
	v0 =	vmul.f32 $8.000000000e+00, v0  }
0xeb: {  	s11 =	sadd.s32 s4, s11;
	[tilespmem:s13+$0x0] =	vst v1;
	v1 =	vmul.f32 $8.000000000e+00, v2  }
0xec: {  	s11 =	sshll.u32 s11, $0x3;
	v2 =	vmul.f32 $8.000000000e+00, v4;
	[tilespmem:s13+$0x10] =	vst v0  }
0xed: {  	s11 =	sand.u32 $0x1FFFF800, s11;
	[tilespmem:s13+$0x20] =	vst v1  }
0xee: {  	s11 =	sadd.s32 s2, s11;
	[tilespmem:s13+$0xFFFFFFC0] =	vst v2  }
0xef: {  	[hbm4b:s11+s3] =	stream.linear.scatter [tilespmem:s24], [sflag:$0x7], $0x2000, $0x38;
	[tilespmem:$0xE400] =	vst v63  }
0xf0: {  	_ =	swait.ge [sflag:s30], $0x2000  }
0xf1: {  	s9 =	sand.u32 $0x3FFFFE00, s9;
	[sflag:s30] =	ssyncset.done $0x0  }
0xf2: {  	s15 =	sadd.s32 $0x200, s9;
	[sflag:s30] =	ssyncadd.s32 $0xFFFFE000  }
0xf3: {  	[tilespmem:s20], [sflag:$0x1] =	stream.indirect.gather [hbm4b:s5+s19], $0x40, s15, s19, $0xb8;
	[tilespmem:$0xE400] =	vst v63  }
0xf4: {  	_ =	swait.ge [sflag:s1], $0x2000  }
0xf5: {  	[sflag:s1] =	ssyncset.done $0x0  }
0xf6: {  	s11 =	simm.s32 $0xC440;
	[sflag:s1] =	ssyncadd.s32 $0xFFFFE000  }
0xf7: {  	v2 =	vld [tilespmem:s11+$0x30]  }
0xf8: {  	v4 =	vld [tilespmem:s11+$0xFFFFFFD0]  }
0xf9: {  	v6 =	vld [tilespmem:s11+$0xFFFFFFE0]  }
0xfa: {  	v3 =	vld [tilespmem:s11+$0xFFFFFFF0]  }
0xfb: {  	v1 =	vld [tilespmem:s11+$0x0]  }
0xfc: {  	v0 =	vld [tilespmem:s11+$0x10];
	v7 =	vmul.f32 $8.000000000e+00, v2  }
0xfd: {  	v2 =	vld [tilespmem:s11+$0x20];
	v5 =	vmul.f32 $8.000000000e+00, v4  }
0xfe: {  	s14 =	simm.s32 $0xC4C0;
	s13 =	simm.s32 $0x0;
	v4 =	vld [tilespmem:s11+$0xFFFFFFC0];
	v6 =	vmul.f32 $8.000000000e+00, v6;
	[tilespmem:s11+$0x30] =	vst v7  }
.LBB2_17:
0xff: {  	v7 =	vld [tilespmem:s14+$0x30];
	s13 =	sadd.s32 $0x8, s13;
	[tilespmem:s11+$0xFFFFFFD0] =	vst v5;
	v3 =	vmul.f32 $8.000000000e+00, v3  }
0x100: {  	v5 =	vld [tilespmem:s14+$0xFFFFFFD0];
	p0 =	slt.u32 s13, $0x1F8;
	[tilespmem:s11+$0xFFFFFFE0] =	vst v6;
	v1 =	vmul.f32 $8.000000000e+00, v1  }
0x101: {  	v6 =	vld [tilespmem:s14+$0xFFFFFFE0];
	[tilespmem:s11+$0xFFFFFFF0] =	vst v3;
	v0 =	vmul.f32 $8.000000000e+00, v0  }
.Ltmp7:
0x102: {  	v3 =	vld [tilespmem:s14+$0xFFFFFFF0];
	[tilespmem:s11+$0x0] =	vst v1;
	v2 =	vmul.f32 $8.000000000e+00, v2;
	(pc) =	sbr.rel @p0 .LBB2_17-.Ltmp7, $4  }
0x103: {  	v1 =	vld [tilespmem:s14+$0x0];
	v4 =	vmul.f32 $8.000000000e+00, v4;
	[tilespmem:s11+$0x10] =	vst v0  }
0x104: {  	v0 =	vld [tilespmem:s14+$0x10];
	v7 =	vmul.f32 $8.000000000e+00, v7;
	[tilespmem:s11+$0x20] =	vst v2  }
0x105: {  	v5 =	vmul.f32 $8.000000000e+00, v5;
	v2 =	vld [tilespmem:s14+$0x20];
	[tilespmem:s11+$0xFFFFFFC0] =	vst v4;
	s11 =	smov.u32 s14  }
0x106: {  	s14 =	sadd.s32 $0x80, s14;
	v4 =	vld [tilespmem:s11+$0xFFFFFFC0];
	v6 =	vmul.f32 $8.000000000e+00, v6;
	[tilespmem:s11+$0x30] =	vst v7  }
0x107: {  	[tilespmem:s11+$0xFFFFFFD0] =	vst v5;
	v3 =	vmul.f32 $8.000000000e+00, v3  }
0x108: {  	[tilespmem:s11+$0xFFFFFFE0] =	vst v6;
	v1 =	vmul.f32 $8.000000000e+00, v1  }
0x109: {  	[tilespmem:s11+$0xFFFFFFF0] =	vst v3;
	v0 =	vmul.f32 $8.000000000e+00, v0  }
0x10a: {  	s10 =	sadd.s32 s4, s10;
	[tilespmem:s11+$0x0] =	vst v1;
	v62 =	vmul.f32 $8.000000000e+00, v2  }
0x10b: {  	s10 =	sshll.u32 s10, $0x3;
	v63 =	vmul.f32 $8.000000000e+00, v4;
	[tilespmem:s11+$0x10] =	vst v0  }
0x10c: {  	s8 =	sadd.s32 $0x1, s8;
	s10 =	sand.u32 $0x1FFFFC00, s10;
	[tilespmem:s11+$0x20] =	vst v62  }
0x10d: {  	p0 =	sne.s32 s8, $0x31;
	s10 =	sadd.s32 s2, s10;
	[tilespmem:s11+$0xFFFFFFC0] =	vst v63  }
0x10e: {  	[hbm4b:s10+s3] =	stream.linear.scatter [tilespmem:s28], [sflag:$0x8], $0x2000, $0x38;
	[tilespmem:$0xE400] =	vst v63  }
.Ltmp8:
0x10f: {  	_ = 	snop;
	(pc) =	sbr.rel @p0 .LBB2_10-.Ltmp8, $4  }
0x110: {  	_ =	swait.ge [sflag:s0], $0x2000  }
0x111: {  	[sflag:s0] =	ssyncset.done $0x0  }
0x112: {  	s9 =	sadd.s32 $0x280, s9;
	[sflag:s0] =	ssyncadd.s32 $0xFFFFE000  }
0x113: {  	[tilespmem:s21], [sflag:$0x2] =	stream.indirect.gather [hbm4b:s5+s19], $0x40, s9, s19, $0xb8;
	[tilespmem:$0xE400] =	vst v63  }
0x114: {  	_ =	swait.ge [sflag:s22], $0x2000  }
0x115: {  	[sflag:s22] =	ssyncset.done $0x0  }
0x116: {  	s8 =	simm.s32 $0x6440;
	[sflag:s22] =	ssyncadd.s32 $0xFFFFE000  }
0x117: {  	v2 =	vld [tilespmem:s8+$0x30]  }
0x118: {  	v4 =	vld [tilespmem:s8+$0xFFFFFFD0]  }
0x119: {  	v6 =	vld [tilespmem:s8+$0xFFFFFFE0]  }
0x11a: {  	v3 =	vld [tilespmem:s8+$0xFFFFFFF0]  }
0x11b: {  	v1 =	vld [tilespmem:s8+$0x0]  }
0x11c: {  	v0 =	vld [tilespmem:s8+$0x10];
	v7 =	vmul.f32 $8.000000000e+00, v2  }
0x11d: {  	v2 =	vld [tilespmem:s8+$0x20];
	v5 =	vmul.f32 $8.000000000e+00, v4  }
0x11e: {  	s9 =	simm.s32 $0x0;
	s10 =	simm.s32 $0x64C0;
	v4 =	vld [tilespmem:s8+$0xFFFFFFC0];
	v6 =	vmul.f32 $8.000000000e+00, v6;
	[tilespmem:s8+$0x30] =	vst v7  }
.LBB2_20:
0x11f: {  	v7 =	vld [tilespmem:s10+$0x30];
	s9 =	sadd.s32 $0x8, s9;
	[tilespmem:s8+$0xFFFFFFD0] =	vst v5;
	v3 =	vmul.f32 $8.000000000e+00, v3  }
0x120: {  	v5 =	vld [tilespmem:s10+$0xFFFFFFD0];
	p0 =	slt.u32 s9, $0x1F8;
	[tilespmem:s8+$0xFFFFFFE0] =	vst v6;
	v1 =	vmul.f32 $8.000000000e+00, v1  }
0x121: {  	v6 =	vld [tilespmem:s10+$0xFFFFFFE0];
	[tilespmem:s8+$0xFFFFFFF0] =	vst v3;
	v0 =	vmul.f32 $8.000000000e+00, v0  }
.Ltmp9:
0x122: {  	v3 =	vld [tilespmem:s10+$0xFFFFFFF0];
	[tilespmem:s8+$0x0] =	vst v1;
	v2 =	vmul.f32 $8.000000000e+00, v2;
	(pc) =	sbr.rel @p0 .LBB2_20-.Ltmp9, $4  }
0x123: {  	v1 =	vld [tilespmem:s10+$0x0];
	v4 =	vmul.f32 $8.000000000e+00, v4;
	[tilespmem:s8+$0x10] =	vst v0  }
0x124: {  	v0 =	vld [tilespmem:s10+$0x10];
	v7 =	vmul.f32 $8.000000000e+00, v7;
	[tilespmem:s8+$0x20] =	vst v2  }
0x125: {  	v5 =	vmul.f32 $8.000000000e+00, v5;
	v2 =	vld [tilespmem:s10+$0x20];
	[tilespmem:s8+$0xFFFFFFC0] =	vst v4;
	s8 =	smov.u32 s10  }
0x126: {  	s10 =	sadd.s32 $0x80, s10;
	v4 =	vld [tilespmem:s8+$0xFFFFFFC0];
	v6 =	vmul.f32 $8.000000000e+00, v6;
	[tilespmem:s8+$0x30] =	vst v7  }
0x127: {  	[tilespmem:s8+$0xFFFFFFD0] =	vst v5;
	v3 =	vmul.f32 $8.000000000e+00, v3  }
0x128: {  	[tilespmem:s8+$0xFFFFFFE0] =	vst v6;
	v1 =	vmul.f32 $8.000000000e+00, v1  }
0x129: {  	[tilespmem:s8+$0xFFFFFFF0] =	vst v3;
	v0 =	vmul.f32 $8.000000000e+00, v0  }
0x12a: {  	[tilespmem:s8+$0x0] =	vst v1;
	v1 =	vmul.f32 $8.000000000e+00, v2  }
0x12b: {  	v2 =	vmul.f32 $8.000000000e+00, v4;
	[tilespmem:s8+$0x10] =	vst v0  }
0x12c: {  	[tilespmem:s8+$0x20] =	vst v1  }
0x12d: {  	[tilespmem:s8+$0xFFFFFFC0] =	vst v2  }
0x12e: {  	s8 =	rddreg [dreg:$0x8]  }
0x12f: {  	[hbm4b:s8+s3] =	stream.linear.scatter [tilespmem:s20], [sflag:$0x5], $0x2000, $0x38;
	[tilespmem:$0xE400] =	vst v63  }
0x130: {  	_ =	swait.ge [sflag:s26], $0x2000  }
0x131: {  	[sflag:s26] =	ssyncset.done $0x0  }
0x132: {  	s15 =	simm.s32 $0x6300;
	[sflag:s26] =	ssyncadd.s32 $0xFFFFE000  }
0x133: {  	[tilespmem:s24], [sflag:$0x3] =	stream.indirect.gather [hbm4b:s5+s19], $0x40, s15, s19, $0xb8;
	[tilespmem:$0xE400] =	vst v63  }
0x134: {  	_ =	swait.ge [sflag:s25], $0x2000  }
0x135: {  	[sflag:s25] =	ssyncset.done $0x0  }
0x136: {  	s8 =	simm.s32 $0x8440;
	[sflag:s25] =	ssyncadd.s32 $0xFFFFE000  }
0x137: {  	v2 =	vld [tilespmem:s8+$0x30]  }
0x138: {  	v4 =	vld [tilespmem:s8+$0xFFFFFFD0]  }
0x139: {  	v6 =	vld [tilespmem:s8+$0xFFFFFFE0]  }
0x13a: {  	v3 =	vld [tilespmem:s8+$0xFFFFFFF0]  }
0x13b: {  	v1 =	vld [tilespmem:s8+$0x0]  }
0x13c: {  	v0 =	vld [tilespmem:s8+$0x10];
	v7 =	vmul.f32 $8.000000000e+00, v2  }
0x13d: {  	v2 =	vld [tilespmem:s8+$0x20];
	v5 =	vmul.f32 $8.000000000e+00, v4  }
0x13e: {  	s9 =	simm.s32 $0x0;
	s10 =	simm.s32 $0x84C0;
	v4 =	vld [tilespmem:s8+$0xFFFFFFC0];
	v6 =	vmul.f32 $8.000000000e+00, v6;
	[tilespmem:s8+$0x30] =	vst v7  }
.LBB2_22:
0x13f: {  	v7 =	vld [tilespmem:s10+$0x30];
	s9 =	sadd.s32 $0x8, s9;
	[tilespmem:s8+$0xFFFFFFD0] =	vst v5;
	v3 =	vmul.f32 $8.000000000e+00, v3  }
0x140: {  	v5 =	vld [tilespmem:s10+$0xFFFFFFD0];
	p0 =	slt.u32 s9, $0x1F8;
	[tilespmem:s8+$0xFFFFFFE0] =	vst v6;
	v1 =	vmul.f32 $8.000000000e+00, v1  }
0x141: {  	v6 =	vld [tilespmem:s10+$0xFFFFFFE0];
	[tilespmem:s8+$0xFFFFFFF0] =	vst v3;
	v0 =	vmul.f32 $8.000000000e+00, v0  }
.Ltmp10:
0x142: {  	v3 =	vld [tilespmem:s10+$0xFFFFFFF0];
	[tilespmem:s8+$0x0] =	vst v1;
	v2 =	vmul.f32 $8.000000000e+00, v2;
	(pc) =	sbr.rel @p0 .LBB2_22-.Ltmp10, $4  }
0x143: {  	v1 =	vld [tilespmem:s10+$0x0];
	v4 =	vmul.f32 $8.000000000e+00, v4;
	[tilespmem:s8+$0x10] =	vst v0  }
0x144: {  	v0 =	vld [tilespmem:s10+$0x10];
	v7 =	vmul.f32 $8.000000000e+00, v7;
	[tilespmem:s8+$0x20] =	vst v2  }
0x145: {  	v5 =	vmul.f32 $8.000000000e+00, v5;
	v2 =	vld [tilespmem:s10+$0x20];
	[tilespmem:s8+$0xFFFFFFC0] =	vst v4;
	s8 =	smov.u32 s10  }
0x146: {  	s10 =	sadd.s32 $0x80, s10;
	v4 =	vld [tilespmem:s8+$0xFFFFFFC0];
	v6 =	vmul.f32 $8.000000000e+00, v6;
	[tilespmem:s8+$0x30] =	vst v7  }
0x147: {  	[tilespmem:s8+$0xFFFFFFD0] =	vst v5;
	v3 =	vmul.f32 $8.000000000e+00, v3  }
0x148: {  	[tilespmem:s8+$0xFFFFFFE0] =	vst v6;
	v1 =	vmul.f32 $8.000000000e+00, v1  }
0x149: {  	[tilespmem:s8+$0xFFFFFFF0] =	vst v3;
	v0 =	vmul.f32 $8.000000000e+00, v0  }
0x14a: {  	[tilespmem:s8+$0x0] =	vst v1;
	v1 =	vmul.f32 $8.000000000e+00, v2  }
0x14b: {  	v2 =	vmul.f32 $8.000000000e+00, v4;
	[tilespmem:s8+$0x10] =	vst v0  }
0x14c: {  	[tilespmem:s8+$0x20] =	vst v1  }
0x14d: {  	[tilespmem:s8+$0xFFFFFFC0] =	vst v2  }
0x14e: {  	s8 =	rddreg [dreg:$0x9]  }
0x14f: {  	[hbm4b:s8+s3] =	stream.linear.scatter [tilespmem:s21], [sflag:$0x6], $0x2000, $0x38;
	[tilespmem:$0xE400] =	vst v63  }
0x150: {  	_ =	swait.ge [sflag:s31], $0x2000  }
0x151: {  	[sflag:s31] =	ssyncset.done $0x0  }
0x152: {  	s15 =	simm.s32 $0x6380;
	[sflag:s31] =	ssyncadd.s32 $0xFFFFE000  }
0x153: {  	[tilespmem:s28], [sflag:$0x4] =	stream.indirect.gather [hbm4b:s5+s19], $0x40, s15, s19, $0xb8;
	[tilespmem:$0xE400] =	vst v63  }
0x154: {  	_ =	swait.ge [sflag:s29], $0x2000  }
0x155: {  	[sflag:s29] =	ssyncset.done $0x0  }
0x156: {  	s8 =	simm.s32 $0xA440;
	[sflag:s29] =	ssyncadd.s32 $0xFFFFE000  }
0x157: {  	v2 =	vld [tilespmem:s8+$0x30]  }
0x158: {  	v4 =	vld [tilespmem:s8+$0xFFFFFFD0]  }
0x159: {  	v6 =	vld [tilespmem:s8+$0xFFFFFFE0]  }
0x15a: {  	v3 =	vld [tilespmem:s8+$0xFFFFFFF0]  }
0x15b: {  	v1 =	vld [tilespmem:s8+$0x0]  }
0x15c: {  	v0 =	vld [tilespmem:s8+$0x10];
	v7 =	vmul.f32 $8.000000000e+00, v2  }
0x15d: {  	v2 =	vld [tilespmem:s8+$0x20];
	v5 =	vmul.f32 $8.000000000e+00, v4  }
0x15e: {  	s9 =	simm.s32 $0x0;
	s10 =	simm.s32 $0xA4C0;
	v4 =	vld [tilespmem:s8+$0xFFFFFFC0];
	v6 =	vmul.f32 $8.000000000e+00, v6;
	[tilespmem:s8+$0x30] =	vst v7  }
.LBB2_24:
0x15f: {  	v7 =	vld [tilespmem:s10+$0x30];
	s9 =	sadd.s32 $0x8, s9;
	[tilespmem:s8+$0xFFFFFFD0] =	vst v5;
	v3 =	vmul.f32 $8.000000000e+00, v3  }
0x160: {  	v5 =	vld [tilespmem:s10+$0xFFFFFFD0];
	p0 =	slt.u32 s9, $0x1F8;
	[tilespmem:s8+$0xFFFFFFE0] =	vst v6;
	v1 =	vmul.f32 $8.000000000e+00, v1  }
0x161: {  	v6 =	vld [tilespmem:s10+$0xFFFFFFE0];
	[tilespmem:s8+$0xFFFFFFF0] =	vst v3;
	v0 =	vmul.f32 $8.000000000e+00, v0  }
.Ltmp11:
0x162: {  	v3 =	vld [tilespmem:s10+$0xFFFFFFF0];
	[tilespmem:s8+$0x0] =	vst v1;
	v2 =	vmul.f32 $8.000000000e+00, v2;
	(pc) =	sbr.rel @p0 .LBB2_24-.Ltmp11, $4  }
0x163: {  	v1 =	vld [tilespmem:s10+$0x0];
	v4 =	vmul.f32 $8.000000000e+00, v4;
	[tilespmem:s8+$0x10] =	vst v0  }
0x164: {  	v0 =	vld [tilespmem:s10+$0x10];
	v7 =	vmul.f32 $8.000000000e+00, v7;
	[tilespmem:s8+$0x20] =	vst v2  }
0x165: {  	v5 =	vmul.f32 $8.000000000e+00, v5;
	v2 =	vld [tilespmem:s10+$0x20];
	[tilespmem:s8+$0xFFFFFFC0] =	vst v4;
	s8 =	smov.u32 s10  }
0x166: {  	s10 =	sadd.s32 $0x80, s10;
	v4 =	vld [tilespmem:s8+$0xFFFFFFC0];
	v6 =	vmul.f32 $8.000000000e+00, v6;
	[tilespmem:s8+$0x30] =	vst v7  }
0x167: {  	[tilespmem:s8+$0xFFFFFFD0] =	vst v5;
	v3 =	vmul.f32 $8.000000000e+00, v3  }
0x168: {  	[tilespmem:s8+$0xFFFFFFE0] =	vst v6;
	v1 =	vmul.f32 $8.000000000e+00, v1  }
0x169: {  	[tilespmem:s8+$0xFFFFFFF0] =	vst v3;
	v0 =	vmul.f32 $8.000000000e+00, v0  }
0x16a: {  	[tilespmem:s8+$0x0] =	vst v1;
	v1 =	vmul.f32 $8.000000000e+00, v2  }
0x16b: {  	v2 =	vmul.f32 $8.000000000e+00, v4;
	[tilespmem:s8+$0x10] =	vst v0  }
0x16c: {  	[tilespmem:s8+$0x20] =	vst v1  }
0x16d: {  	[tilespmem:s8+$0xFFFFFFC0] =	vst v2  }
0x16e: {  	s8 =	rddreg [dreg:$0xa]  }
0x16f: {  	[hbm4b:s8+s3] =	stream.linear.scatter [tilespmem:s24], [sflag:$0x7], $0x2000, $0x38;
	[tilespmem:$0xE400] =	vst v63  }
0x170: {  	_ =	swait.ge [sflag:s1], $0x2000  }
0x171: {  	[sflag:s1] =	ssyncset.done $0x0  }
0x172: {  	s8 =	simm.s32 $0xC440;
	[sflag:s1] =	ssyncadd.s32 $0xFFFFE000  }
0x173: {  	v2 =	vld [tilespmem:s8+$0x30]  }
0x174: {  	v4 =	vld [tilespmem:s8+$0xFFFFFFD0]  }
0x175: {  	v6 =	vld [tilespmem:s8+$0xFFFFFFE0]  }
0x176: {  	v3 =	vld [tilespmem:s8+$0xFFFFFFF0]  }
0x177: {  	v1 =	vld [tilespmem:s8+$0x0]  }
0x178: {  	v0 =	vld [tilespmem:s8+$0x10];
	v7 =	vmul.f32 $8.000000000e+00, v2  }
0x179: {  	v2 =	vld [tilespmem:s8+$0x20];
	v5 =	vmul.f32 $8.000000000e+00, v4  }
0x17a: {  	s9 =	simm.s32 $0x0;
	s10 =	simm.s32 $0xC4C0;
	v4 =	vld [tilespmem:s8+$0xFFFFFFC0];
	v6 =	vmul.f32 $8.000000000e+00, v6;
	[tilespmem:s8+$0x30] =	vst v7  }
.LBB2_26:
0x17b: {  	v7 =	vld [tilespmem:s10+$0x30];
	s9 =	sadd.s32 $0x8, s9;
	[tilespmem:s8+$0xFFFFFFD0] =	vst v5;
	v3 =	vmul.f32 $8.000000000e+00, v3  }
0x17c: {  	v5 =	vld [tilespmem:s10+$0xFFFFFFD0];
	p0 =	slt.u32 s9, $0x1F8;
	[tilespmem:s8+$0xFFFFFFE0] =	vst v6;
	v1 =	vmul.f32 $8.000000000e+00, v1  }
0x17d: {  	v6 =	vld [tilespmem:s10+$0xFFFFFFE0];
	[tilespmem:s8+$0xFFFFFFF0] =	vst v3;
	v0 =	vmul.f32 $8.000000000e+00, v0  }
.Ltmp12:
0x17e: {  	v3 =	vld [tilespmem:s10+$0xFFFFFFF0];
	[tilespmem:s8+$0x0] =	vst v1;
	v2 =	vmul.f32 $8.000000000e+00, v2;
	(pc) =	sbr.rel @p0 .LBB2_26-.Ltmp12, $4  }
0x17f: {  	v1 =	vld [tilespmem:s10+$0x0];
	v4 =	vmul.f32 $8.000000000e+00, v4;
	[tilespmem:s8+$0x10] =	vst v0  }
0x180: {  	v0 =	vld [tilespmem:s10+$0x10];
	v7 =	vmul.f32 $8.000000000e+00, v7;
	[tilespmem:s8+$0x20] =	vst v2  }
0x181: {  	v5 =	vmul.f32 $8.000000000e+00, v5;
	v2 =	vld [tilespmem:s10+$0x20];
	[tilespmem:s8+$0xFFFFFFC0] =	vst v4;
	s8 =	smov.u32 s10  }
0x182: {  	s10 =	sadd.s32 $0x80, s10;
	v4 =	vld [tilespmem:s8+$0xFFFFFFC0];
	v6 =	vmul.f32 $8.000000000e+00, v6;
	[tilespmem:s8+$0x30] =	vst v7  }
0x183: {  	[tilespmem:s8+$0xFFFFFFD0] =	vst v5;
	v3 =	vmul.f32 $8.000000000e+00, v3  }
0x184: {  	[tilespmem:s8+$0xFFFFFFE0] =	vst v6;
	v1 =	vmul.f32 $8.000000000e+00, v1  }
0x185: {  	[tilespmem:s8+$0xFFFFFFF0] =	vst v3;
	v0 =	vmul.f32 $8.000000000e+00, v0  }
0x186: {  	[tilespmem:s8+$0x0] =	vst v1;
	v62 =	vmul.f32 $8.000000000e+00, v2  }
0x187: {  	v63 =	vmul.f32 $8.000000000e+00, v4;
	[tilespmem:s8+$0x10] =	vst v0  }
0x188: {  	[tilespmem:s8+$0x20] =	vst v62  }
0x189: {  	[tilespmem:s8+$0xFFFFFFC0] =	vst v63  }
0x18a: {  	[hbm4b:s16+s3] =	stream.linear.scatter [tilespmem:s28], [sflag:$0x8], $0x2000, $0x38;
	[tilespmem:$0xE400] =	vst v63  }
0x18b: {  	_ =	swait.ge [sflag:s30], $0x2000  }
0x18c: {  	[sflag:s30] =	ssyncset.done $0x0  }
0x18d: {  	[sflag:s30] =	ssyncadd.s32 $0xFFFFE000  }
0x18e: {  	_ =	swait.ge [sflag:s0], $0x2000  }
0x18f: {  	[sflag:s0] =	ssyncset.done $0x0  }
0x190: {  	s23 =	sadd.s32 $0x1, s23;
	[sflag:s0] =	ssyncadd.s32 $0xFFFFE000  }
0x191: {  	p0 =	sne.s32 s23, s17;
	_ =	swait.ge [sflag:s26], $0x2000  }
.Ltmp13:
0x192: {  	[sflag:s26] =	ssyncset.done $0x0;
	(pc) =	sbr.rel @p0 .LBB2_1-.Ltmp13, $4  }
0x193: {  	[sflag:s26] =	ssyncadd.s32 $0xFFFFE000  }
0x194: {  	_ =	swait.ge [sflag:s31], $0x2000  }
0x195: {  	[sflag:s31] =	ssyncset.done $0x0  }
0x196: {  	[sflag:s31] =	ssyncadd.s32 $0xFFFFE000  }
0x197: {  	_ =	sfence.sel $0x180000  }
0x198: {  	[bflag:$0x0] =	sbarrier.arrive $0xFFFF  }
0x199: {  	_ =	strace $0x90000047  }
0x19a: {  	s0 =	stileid.u32;
	[bflag:$0x2] =	sbarrier.arrive $0xFFFF  }
0x19b: {  	p0 =	sne.s32 s0, $0x0;
	s0 =	rddreg [dreg:$0x3]  }
0x19c: {  	s0 =	sadd.s32 @!p0 $0x100000, s0  }
0x19d: {  	[sflag:s0] =	ssyncadd.tile.s32 @!p0 $0x1;
	_ =	shalt  }
.Lfunc_end2:
_tile_overlayer_lowered:
.L_overlay_start_2:
0x19e: {  	(tag) =	ssettag $0x2  }
0x19f: {  	s0 =	rddreg [dreg:$0x0];
	s2 =	stileid.u32  }
0x1a0: {  	s1 =	rddreg [dreg:$0x1];
	p0 =	sne.s32 s2, $0x0  }
0x1a1: {  	s3 =	rddreg [dreg:$0x2];
	[bflag:$0x3] =	sbarrier.arrive $0xFFFF;
	s2 =	simm.s32 @!p0 $0x1C09  }
0x1a2: {  	[timem:s3], [sflag:s2] =	dma.local @!p0 [hbm:s0], s1  }
0x1a3: {  	s0 =	simm.s32 @!p0 $0x9  }
0x1a4: {  	_ =	swait.ge @!p0 [sflag:s0], s1  }
0x1a5: {  	s1 =	ssub.s32 @!p0 $0x0, s1;
	[sflag:s0] =	ssyncset.done @!p0 $0x0  }
0x1a6: {  	[sflag:s0] =	ssyncadd.s32 @!p0 s1  }
0x1a7: {  	[bflag:$0x3] =	sbarrier.arrive $0xFFFF  }
0x1a8: {  	_ =	shalt  }

// kernel: sparse-core-data-format-call.cloned.1.call-start
scs
called_computation_lowered:
.L_overlay_start_0:
0x0: {  	s2 =	sld [smem:$0x3FD9]  }
0x1: {  	s3 =	sld [smem:$0x3FFE];
	_ =	sdelay $0x1  }
0x2: {  	s1 =	srdreg.scid  }
0x3: {  	s0 =	sand.u32 $0x1, s1  }
0x4: {  	s18 =	sshll.u32 s0, $0xA;
	s2 =	sadd.s32 s3, s2  }
0x5: {  	s2 =	sadd.s32 s2, s18  }
0x6: {  	[smem:$0x3FC6] =	sst s2  }
0x7: {  	_ = 	snop  }
0x8: {  	s2 =	sld [smem:$0x3FD0];
	(tm) =	ssettm $0x1  }
0x9: {  	s19 =	sld [smem:$0x3FFB];
	_ =	sdelay $0x3  }
0xa: {  	_ =	strace s19  }
0xb: {  	s3 =	sld [smem:$0x3FFC];
	_ =	sdelay $0x3  }
0xc: {  	_ =	strace s3  }
0xd: {  	s3 =	sld [smem:$0x3FFD];
	_ =	sdelay $0x3  }
0xe: {  	_ =	strace s3  }
0xf: {  	_ =	strace $0x8FFFFFFF  }
0x10: {  	s20 =	sld [smem:$0x3FDB];
	_ =	sdelay $0x1  }
0x11: {  	s4 =	simm.s32 $_scs_section_size  }
0x12: {  	s5 =	simm.s32 $_size__tile_overlayer_lowered;
	s6 =	simm.s32 $_tile_overlayer_lowered  }
0x13: {  	s23 =	simm.s32 $0x1BFF;
	s22 =	sshll.u32 s6, $0x1;
	s3 =	sadd.s32 s4, s20  }
0x14: {  	s7 =	simm.s32 $0x0;
	s21 =	sshll.u32 s5, $0x1;
	s5 =	sadd.s32 s22, s3  }
0x15: {  	[timem:s7], [sflag:s23] =	dma.local [hbm:s5], s21  }
0x16: {  	_ =	swait.ge [sflag:s23], s21  }
0x17: {  	s4 =	ssub.s32 $0x0, s21;
	[sflag:s23] =	ssyncset.done $0x0  }
0x18: {  	[sflag:s23] =	ssyncadd.s32 s4;
	_ =	sdelay $0x1  }
0x19: {  	s24 =	simm.s32 $0x1B8B  }
0x1a: {  	_ =	swait.ge [sflag:s24], $0x1  }
0x1b: {  	[sflag:s24] =	ssyncset.done $0x0  }
0x1c: {  	s26 =	simm.s32 $0x1B8E;
	s25 =	sld [smem:$0x3FFE];
	[sflag:s24] =	ssyncadd.s32 $0xFFFFFFFF  }
0x1d: {  	s27 =	simm.s32 $execute0_lowered;
	[smem:$0x3FD2] =	sst s26  }
0x1e: {  	s5 =	sshll.u32 s27, $0x1;
	_ =	strace $0x80000049;
	[dreg:$0x1] =	wrdreg $0xFFFFFFFF  }
0x1f: {  	s28 =	simm.s32 $_size_execute0_lowered;
	s3 =	sadd.s32 s3, s5;
	[dreg:$0x0] =	wrdreg $0x0  }
0x20: {  	s5 =	sshll.u32 s28, $0x1;
	[dreg:$0x2] =	wrdreg s3  }
0x21: {  	[dreg:$0x3] =	wrdreg s5  }
0x22: {  	[dreg:$0x4] =	wrdreg $0xC0  }
0x23: {  	_ =	task [dreg:s7], $0x5FFFF  }
0x24: {  	[dreg:$0x1] =	wrdreg $0xFFFFFFFF  }
0x25: {  	[dreg:$0x0] =	wrdreg $0x60  }
0x26: {  	[dreg:$0x2] =	wrdreg s25  }
0x27: {  	[dreg:$0x3] =	wrdreg s2  }
0x28: {  	[dreg:$0x4] =	wrdreg $0x9  }
0x29: {  	_ =	task.clear_ibuf [dreg:s7], $0x5FFFF;
	_ =	strace $0x90000049  }
0x2a: {  	s29 =	simm.s32 $0x9;
	_ =	strace $0x8000004B  }
0x2b: {  	_ =	swait.ge [sflag:s29], $0x1  }
0x2c: {  	[sflag:s29] =	ssyncadd.s32 $0xFFFFFFFF  }
0x2d: {  	_ =	strace $0x9000004B  }
0x2e: {  	_ =	sfence  }
0x2f: {  	s30 =	sld [smem:$0x0];
	_ =	sdelay $0x2  }
0x30: {  	s31 =	sshll.u32 s1, $0xD;
	s1 =	sshrl.u32 s1, $0x2  }
0x31: {  	s3 =	sand.u32 $0x4000, s31;
	s1 =	sadd.s32 s1, s30  }
0x32: {  	s0 =	sor.u32 s3, s0;
	s1 =	sshll.u32 s1, $0x11  }
0x33: {  	s0 =	sor.u32 s1, s0  }
0x34: {  	s0 =	sadd.s32 $0x8F2B, s0  }
0x35: {  	[sflag:s0] =	ssyncadd.remote.s32 $0x1  }
0x36: {  	_ =	sfence.sel $0xFFFF  }
0x37: {  	[dreg:$0x0] =	wrdreg $0xFFFFFFFF;
	(pc) =	sbr.abs _section_cstart, $3  }
0x38: {  	[dreg:$0x1] =	wrdreg $0xFFFFFFFF  }
0x39: {  	_ =	task.clear_ibuf [dreg:s7], $0x2FFFF;
	_ =	strace $0x9FFFFFFF  }
0x3a: {  	(tm) =	ssettm $0x7FFFFFFF  }
0x3b: {  	_ =	shalt  }
tec
execute0_lowered:
.L_overlay_start_1:
0x0: {  	(tag) =	ssettag $0x1  }
0x1: {  	s0 =	srdreg.scid  }
0x2: {  	s1 =	sshll.u32 s0, $0x4  }
0x3: {  	s4 =	rddreg [dreg:$0x0];
	s0 =	stileid.u32;
	s1 =	sand.u32 $0x10, s1  }
0x4: {  	s2 =	rddreg [dreg:$0x1];
	s7 =	simm.s32 $0x1;
	s1 =	sor.u32 s0, s1  }
0x5: {  	s8 =	simm.s32 $0x2;
	s11 =	simm.s32 $0x0;
	s3 =	sshll.u32 s1, $0x7  }
0x6: {  	s10 =	simm.s32 $0x0;
	s4 =	sadd.s32 $0x800, s4;
	s6 =	ssub.s32 $0xC8000, s3  }
.Ltmp0:
0x7: {  	s1 =	rddreg [dreg:$0x2];
	s5 =	sand.u32 $0xF80, s6;
	(pc) =	sbr.rel .LBB1_1-.Ltmp0, $4  }
0x8: {  	_ =	strace $0x8000004A;
	s9 =	smov.u32 s3;
	p0 =	sne.s32 s5, $0x0  }
0x9: {  	s6 =	sshrl.u32 s6, $0xC;
	s5 =	simm.s32 $0x1;
	s7 =	simm.s32 @!p0 $0x0  }
0xa: {  	[sflag:s5] =	ssyncpa.u1 $0x0;
	p0 =	por $0x0, $0x0;
	s6 =	sadd.s32 s7, s6  }
0xb: {  	[sflag:s8] =	ssyncpa.u1 $0x0;
	s8 =	simm.s32 $0x640000;
	s7 =	sadd.s32 $0x1, s6  }
.LBB1_4:
0xc: {  	s14 =	sshll.u32 s11, $0x3  }
0xd: {  	s30 =	sand.u32 $0x7F, s11;
	s15 =	sand.u32 $0xFFFFFC00, s14  }
0xe: {  	s11 =	sor.u32 s30, s15  }
0xf: {  	s15 =	smulhi.u32 $0x51EB851F, s11  }
0x10: {  	s14 =	smulhi.u32 $0x51EB851F, s14  }
0x11: {  	s15 =	sshrl.u32 s15, $0x12  }
0x12: {  	s14 =	sshrl.u32 s14, $0x12;
	s15 =	smul.u32 $0xC8000, s15  }
0x13: {  	s14 =	sand.u32 $0x3F, s14  }
0x14: {  	s14 =	smul.u32 $0x19000, s14;
	s11 =	ssub.s32 s11, s15  }
0x15: {  	[tilespmem:s13+$0x810 ss:$0x81] =	vst.msk $0xffff, v2;
	s15 =	sand.u32 $0x7, s11  }
0x16: {  	[tilespmem:s13+$0x1020 ss:$0x81] =	vst.msk $0xffff, v0;
	s14 =	sadd.s32 s2, s14;
	s11 =	sshrl.u32 s11, $0x3;
	s15 =	sshll.u32 s15, $0x12  }
0x17: {  	[tilespmem:s13+$0x0 ss:$0x81] =	vst.msk $0xffff, v1;
	s11 =	sadd.s32 s11, s14;
	s31 =	sor.u32 $0x400, s15  }
0x18: {  	[hbm4b:s11+s31] =	stream.strided.scatter [tilespmem:s12], [sflag:$0x2], $0x2000, s8, s31, $0x20;
	[tilespmem:$0x8080] =	vst v63  }
.LBB1_5:
0x19: {  	s13 =	sadd.s32 $0x1000, s9  }
0x1a: {  	p2 =	sgt.s32 s13, $0xC7FFF  }
0x1b: {  	s13 =	smov.u32 @p2 s3;
	p2 =	sne.s32 s10, s7  }
.Ltmp1:
0x1c: {  	p1 =	slt.u32 s10, $0x2;
	(pc) =	sbr.rel @!p2 .LBB1_6-.Ltmp1, $4  }
0x1d: {  	s12 =	simm.s32 @!p1 $0x2  }
0x1e: {  	s14 =	sadd.s32 $0x1, s10;
	_ =	swait.ge @!p1 [sflag:s12], $0x2000  }
0x1f: {  	s11 =	smov.u32 s9;
	p0 =	por !p0, !p0;
	[sflag:s12] =	ssyncset.done @!p1 $0x0  }
0x20: {  	s10 =	smov.u32 s14;
	s9 =	smov.u32 s13;
	[sflag:s12] =	ssyncadd.s32 @!p1 $0xFFFFE000  }
.LBB1_1:
0x21: {  	p1 =	sge.u32 s10, s6  }
0x22: {  	s12 =	sand.u32 @!p1 $0x1FFFFFF, s9  }
0x23: {  	s13 =	smulhi.u32 @!p1 $0x147AE15, s12;
	_ =	sdelay $0x1  }
0x24: {  	s13 =	sshrl.u32 @!p1 s13, $0xC  }
0x25: {  	s13 =	smul.u32 @!p1 $0xC8000, s13;
	_ =	sdelay $0x1  }
0x26: {  	s31 =	sadd.s32 $0xFFFFFFFF, s10;
	s14 =	sxor.u32 @!p1 $0xFFFFFFFF, s10;
	s12 =	ssub.s32 @!p1 s12, s13  }
0x27: {  	s15 =	simm.s32 @!p1 $0x80;
	s14 =	sshll.u32 @!p1 s14, $0xD;
	s12 =	sshll.u32 @!p1 s12, $0x4  }
0x28: {  	s13 =	sand.u32 @!p1 $0x2000, s14;
	s14 =	simm.s32 @!p1 $0x40;
	s12 =	sadd.s32 @!p1 s4, s12  }
0x29: {  	[tilespmem:s13], [sflag:$0x1] =	stream.strided.gather @!p1 [hbm4b:s12+s14], $0x2000, s15, s14, $0x38;
	[tilespmem:$0x8080] =	vst v63  }
0x2a: {  	p1 =	sge.u32 s31, s6  }
.Ltmp2:
0x2b: {  	_ = 	snop;
	(pc) =	sbr.rel @p1 .LBB1_5-.Ltmp2, $1  }
0x2c: {  	_ =	sdelay $0x3  }
0x2d: {  	s12 =	simm.s32 $0x1  }
0x2e: {  	_ =	swait.ge [sflag:s5], $0x2000;
	s12 =	simm.s32 @!p0 $0x0  }
0x2f: {  	[sflag:s5] =	ssyncset.done $0x0;
	s13 =	sshll.u32 s12, $0xD  }
0x30: {  	[sflag:s5] =	ssyncadd.s32 $0xFFFFE000;
	s16 =	sor.u32 $0x20, s13  }
0x31: {  	s12 =	smul.u32 $0x8100, s12;
	v3 =	vld [tilespmem:s16+$0x10]  }
0x32: {  	s30 =	sand.u32 $0x1, s10;
	v2 =	vld [tilespmem:s16+$0xFFFFFFF0]  }
0x33: {  	s13 =	smul.u32 $0x8100, s30;
	s12 =	sshrl.u32 s12, $0x2;
	v0 =	vld [tilespmem:s16+$0x0]  }
0x34: {  	v1 =	vld [tilespmem:s16+$0xFFFFFFE0];
	s14 =	sor.u32 $0x4000, s12  }
0x35: {  	s31 =	sshrl.u32 s13, $0x2;
	s13 =	sadd.s32 $0x0, s14  }
0x36: {  	s15 =	simm.s32 $0x4;
	s16 =	sadd.s32 $0x40, s16;
	s12 =	sor.u32 $0x4000, s31;
	[tilespmem:s13+$0x1830 ss:$0x81] =	vst.msk $0xffff, v3  }
.LBB1_3:
0x37: {  	v3 =	vld [tilespmem:s16+$0x10];
	p1 =	sne.s32 s15, $0x1FC;
	[tilespmem:s13+$0x810 ss:$0x81] =	vst.msk $0xffff, v2;
	s17 =	smov.u32 s15;
	s15 =	sadd.s32 $0x4, s15  }
.Ltmp3:
0x38: {  	v2 =	vld [tilespmem:s16+$0xFFFFFFF0];
	[tilespmem:s13+$0x1020 ss:$0x81] =	vst.msk $0xffff, v0;
	(pc) =	sbr.rel @p1 .LBB1_3-.Ltmp3, $4  }
0x39: {  	v0 =	vld [tilespmem:s16+$0x0];
	[tilespmem:s13+$0x0 ss:$0x81] =	vst.msk $0xffff, v1  }
0x3a: {  	s13 =	sshra.s32 s17, $0x2;
	v1 =	vld [tilespmem:s16+$0xFFFFFFE0]  }
0x3b: {  	s13 =	sadd.s32 s13, s14  }
0x3c: {  	s16 =	sadd.s32 $0x40, s16;
	[tilespmem:s13+$0x1830 ss:$0x81] =	vst.msk $0xffff, v3  }
.Ltmp4:
0x3d: {  	_ = 	snop;
	(pc) =	sbr.rel .LBB1_4-.Ltmp4, $1  }
0x3e: {  	_ =	sdelay $0x3  }
.LBB1_6:
0x3f: {  	_ =	sfence.sel $0x180000  }
0x40: {  	s2 =	simm.s32 $0x1;
	[bflag:$0x0] =	sbarrier.arrive $0xFFFF  }
0x41: {  	s31 =	simm.s32 $0x2;
	[sflag:s2] =	ssyncpa.u1 $0x1  }
0x42: {  	[sflag:s31] =	ssyncpa.u1 $0x1  }
0x43: {  	p0 =	sne.s32 s0, $0x0;
	_ =	strace $0x9000004A  }
0x44: {  	s0 =	sadd.s32 @!p0 $0x100000, s1;
	[bflag:$0x2] =	sbarrier.arrive $0xFFFF  }
0x45: {  	[sflag:s0] =	ssyncadd.tile.s32 @!p0 $0x1;
	_ =	shalt  }
.Lfunc_end1:
_tile_overlayer_lowered:
.L_overlay_start_2:
0x46: {  	(tag) =	ssettag $0x2  }
0x47: {  	s0 =	rddreg [dreg:$0x0];
	s2 =	stileid.u32  }
0x48: {  	s1 =	rddreg [dreg:$0x1];
	p0 =	sne.s32 s2, $0x0  }
0x49: {  	s3 =	rddreg [dreg:$0x2];
	[bflag:$0x3] =	sbarrier.arrive $0xFFFF;
	s2 =	simm.s32 @!p0 $0x1C01  }
0x4a: {  	[timem:s3], [sflag:s2] =	dma.local @!p0 [hbm:s0], s1  }
0x4b: {  	s0 =	simm.s32 @!p0 $0x1  }
0x4c: {  	_ =	swait.ge @!p0 [sflag:s0], s1  }
0x4d: {  	s1 =	ssub.s32 @!p0 $0x0, s1;
	[sflag:s0] =	ssyncset.done @!p0 $0x0  }
0x4e: {  	[sflag:s0] =	ssyncadd.s32 @!p0 s1  }
0x4f: {  	[bflag:$0x3] =	sbarrier.arrive $0xFFFF  }
0x50: {  	_ =	shalt  }

</sc_bundles>
